<compile_context>
chip_gen: v7x
topology: tpu7x:2x2x1
jax: 0.10.2.dev20260603
libtpu: 0.0.44.dev20260713+nightly
codegen_flags: <defaults>
</compile_context>

<pallas_src>
import jax
import jax.numpy as jnp
from jax import lax
from jax.experimental import pallas as pl
from jax.experimental.pallas import tpu as pltpu
from jax.experimental.pallas import tpu_sc as plsc

B, A, G, D = 16, 1024, 64, 3
L = 16
NW = 32
K_SC = 4
B_TC = B - K_SC
WPB = NW // K_SC
GPW = G // WPB
GROUP = min(8, GPW)
CHUNKS = A // L
EPS = 1e-8
TINY = 1e-30
MAGIC = 0x5F3759DF


def _rsqrt(x):
    i = lax.bitcast_convert_type(x, jnp.int32)
    y = lax.bitcast_convert_type(MAGIC - (i >> 1), jnp.float32)
    half = 0.5 * x
    for _ in range(3):
        y = y * (1.5 - half * y * y)
    return y


def _sc_body(atoms3, true3, glob_t, out, asv, usv, gv, accv, sem):
    c = lax.axis_index("c")
    s = lax.axis_index("s")
    wid = s * 2 + c
    bl = wid // WPB
    b = B_TC + bl
    part = wid % WPB

    gsl = pl.ds(part * GPW, GPW)
    dsl = pl.ds(0, GPW)
    copies = [
        pltpu.async_copy(atoms3.at[b], asv, sem),
        pltpu.async_copy(true3.at[b], usv, sem),
        pltpu.async_copy(glob_t.at[0, b, gsl], gv.at[0, dsl], sem),
        pltpu.async_copy(glob_t.at[1, b, gsl], gv.at[1, dsl], sem),
        pltpu.async_copy(glob_t.at[2, b, gsl], gv.at[2, dsl], sem),
    ]
    for cp in copies:
        cp.wait()

    def norm_body(i, carry):
        sl = pl.ds(i * L, L)
        vx, vy, vz = usv[0, sl], usv[1, sl], usv[2, sl]
        n2 = jnp.maximum(vx * vx + vy * vy + vz * vz, TINY)
        inv = jnp.minimum(_rsqrt(n2), 1.0 / EPS)
        usv[0, sl] = vx * inv
        usv[1, sl] = vy * inv
        usv[2, sl] = vz * inv
        return carry

    lax.fori_loop(0, CHUNKS, norm_body, 0)

    for g0 in range(0, GPW, GROUP):
        csl = pl.ds((g0 // L) * L, L)
        gxc = gv[0, csl]
        gyc = gv[1, csl]
        gzc = gv[2, csl]
        px = [jnp.full((L,), gxc[(g0 + j) % L]) for j in range(GROUP)]
        py = [jnp.full((L,), gyc[(g0 + j) % L]) for j in range(GROUP)]
        pz = [jnp.full((L,), gzc[(g0 + j) % L]) for j in range(GROUP)]

        def chunk_body(i, acc):
            sl = pl.ds(i * L, L)
            x, y, z = asv[0, sl], asv[1, sl], asv[2, sl]
            ux, uy, uz = usv[0, sl], usv[1, sl], usv[2, sl]
            new = []
            for j in range(GROUP):
                dx = px[j] - x
                dy = py[j] - y
                dz = pz[j] - z
                dot = ux * dx + uy * dy + uz * dz
                n2 = jnp.maximum(dx * dx + dy * dy + dz * dz, TINY)
                new.append(acc[j] + dot * _rsqrt(n2))
            return tuple(new)

        acc0 = tuple(jnp.zeros((L,), jnp.float32) for _ in range(GROUP))
        acc = lax.fori_loop(0, CHUNKS, chunk_body, acc0)
        for j in range(GROUP):
            accv[g0 + j] = acc[j]

    pltpu.sync_copy(accv, out.at[bl, gsl])


def _tc_body(x_ref, t_ref, p_ref, minv_ref, mi_ref):
    x_x = x_ref[0, 0:1, :]
    x_y = x_ref[0, 1:2, :]
    x_z = x_ref[0, 2:3, :]
    t_x = t_ref[0, 0:1, :]
    t_y = t_ref[0, 1:2, :]
    t_z = t_ref[0, 2:3, :]
    p_x = p_ref[0, :, 0:1]
    p_y = p_ref[0, :, 1:2]
    p_z = p_ref[0, :, 2:3]

    d_x = p_x - x_x
    d_y = p_y - x_y
    d_z = p_z - x_z
    dot = d_x * t_x + d_y * t_y + d_z * t_z
    na2 = t_x * t_x + t_y * t_y + t_z * t_z
    nb2 = d_x * d_x + d_y * d_y + d_z * d_z
    inv_a = jnp.minimum(lax.rsqrt(na2), 1.0 / EPS)
    inv_b = jnp.minimum(lax.rsqrt(nb2), 1.0 / EPS)
    cos = dot * inv_a * inv_b
    srow = jnp.sum(cos, axis=1, keepdims=True)
    loss = 1.0 - srow * (1.0 / A)
    minv = jnp.min(loss, axis=0, keepdims=True)
    gids = lax.broadcasted_iota(jnp.int32, loss.shape, 0)
    mi = jnp.min(jnp.where(loss == minv, gids, G), axis=0, keepdims=True)
    minv_ref[0] = minv
    mi_ref[0] = mi


def _tail_body(part_ref, tminv_ref, tmi_ref, loss_ref, mi_ref):
    p = part_ref[...]
    srow = jnp.sum(p, axis=2)
    loss = 1.0 - srow * (1.0 / A)
    minv = jnp.min(loss, axis=1, keepdims=True)
    gids = lax.broadcasted_iota(jnp.int32, (K_SC, G), 1)
    mi = jnp.min(jnp.where(loss == minv, gids, G), axis=1, keepdims=True)
    all_minv = jnp.concatenate([tminv_ref[...][:, 0, :], minv], axis=0)
    all_mi = jnp.concatenate([tmi_ref[...][:, 0, :], mi], axis=0)
    mi_ref[...] = all_mi
    loss_ref[...] = jnp.sum(all_minv, axis=0, keepdims=True) * (1.0 / B)


@jax.jit
def _run(atoms3, true3, glob3, glob_t):
    tminv, tmi = pl.pallas_call(
        _tc_body,
        grid=(B_TC,),
        in_specs=[
            pl.BlockSpec((1, D, A), lambda b: (b, 0, 0)),
            pl.BlockSpec((1, D, A), lambda b: (b, 0, 0)),
            pl.BlockSpec((1, G, D), lambda b: (b, 0, 0)),
        ],
        out_specs=[
            pl.BlockSpec((1, 1, 1), lambda b: (b, 0, 0)),
            pl.BlockSpec((1, 1, 1), lambda b: (b, 0, 0)),
        ],
        out_shape=[
            jax.ShapeDtypeStruct((B_TC, 1, 1), jnp.float32),
            jax.ShapeDtypeStruct((B_TC, 1, 1), jnp.int32),
        ],
    )(atoms3, true3, glob3)

    part = pl.kernel(
        _sc_body,
        out_type=jax.ShapeDtypeStruct((K_SC, G, L), jnp.float32),
        mesh=plsc.VectorSubcoreMesh(core_axis_name="c", subcore_axis_name="s"),
        scratch_types=[
            pltpu.VMEM((D, A), jnp.float32),
            pltpu.VMEM((D, A), jnp.float32),
            pltpu.VMEM((D, L), jnp.float32),
            pltpu.VMEM((GPW, L), jnp.float32),
            pltpu.SemaphoreType.DMA,
        ],
    )(atoms3, true3, glob_t)

    loss, mi = pl.pallas_call(
        _tail_body,
        out_shape=[
            jax.ShapeDtypeStruct((1, 1), jnp.float32),
            jax.ShapeDtypeStruct((B, 1), jnp.int32),
        ],
    )(part, tminv, tmi)
    return loss[0, 0], mi[:, 0]


def kernel(atom_positions, pred_pos_global_node, true_direction_vectors,
           atom_batch_index, global_node_batch_index):
    atoms3 = atom_positions.reshape(B, A, D).transpose(0, 2, 1)
    true3 = true_direction_vectors.reshape(B, A, D).transpose(0, 2, 1)
    glob3 = pred_pos_global_node.reshape(B, G, D)
    glob_t = glob3.transpose(2, 0, 1)
    return _run(atoms3, true3, glob3, glob_t)

# --- scband reference (transcript-rebuilt; emitter-appended) ---
"""Pipeline reference for scband-direction-min-global-node-loss-67362267070813 (READ-ONLY COPY).

The authoritative reference and input builder live on the scoring server;
editing this copy changes nothing except your own understanding.
"""

import jax, jax.numpy as jnp
import numpy as np

B, A, G, D = 16, 1024, 64, 3


def setup_inputs(seed: int = 0) -> dict:
    key = jax.random.key(seed)
    k1, k2, k3 = jax.random.split(key, 3)
    atom_positions = jax.random.normal(k1, (B * A, D), dtype=jnp.float32)
    pred_pos_global_node = jax.random.normal(k2, (B * G, D), dtype=jnp.float32)
    true_direction_vectors = jax.random.normal(k3, (B * A, D), dtype=jnp.float32)
    # Deterministic sorted segment ids guaranteeing every batch has atoms and global nodes
    atom_batch_index = jnp.repeat(jnp.arange(B, dtype=jnp.int32), A)
    global_node_batch_index = jnp.repeat(jnp.arange(B, dtype=jnp.int32), G)
    return {
        'atom_positions': atom_positions,
        'pred_pos_global_node': pred_pos_global_node,
        'true_direction_vectors': true_direction_vectors,
        'atom_batch_index': atom_batch_index,
        'global_node_batch_index': global_node_batch_index,
    }


def _cosine_similarity(a, b, eps=1e-8):
    # Faithful to torch.nn.functional.cosine_similarity (dim=-1, eps clamp on norms)
    dot = jnp.sum(a * b, axis=-1)
    na = jnp.sqrt(jnp.sum(a * a, axis=-1))
    nb = jnp.sqrt(jnp.sum(b * b, axis=-1))
    return dot / (jnp.maximum(na, eps) * jnp.maximum(nb, eps))


def reference(atom_positions, pred_pos_global_node, true_direction_vectors, atom_batch_index, global_node_batch_index):
    atoms = atom_positions.reshape(B, A, D)
    globals_ = pred_pos_global_node.reshape(B, G, D)
    true_ = true_direction_vectors.reshape(B, A, D)
    batch_ids = jnp.arange(B, dtype=atom_batch_index.dtype)
    atom_mask = (atom_batch_index.reshape(B, A) == batch_ids[:, None]).astype(jnp.float32)   # [B, A]
    glob_mask = global_node_batch_index.reshape(B, G) == batch_ids[:, None]                  # [B, G]
    # compute_difference_vectors: global_nodes.unsqueeze(1) - atoms
    pred_dir = globals_[:, :, None, :] - atoms[:, None, :, :]        # [B, G, A, 3]
    cos = _cosine_similarity(true_[:, None, :, :], pred_dir)         # [B, G, A]
    cos = cos * atom_mask[:, None, :]
    denom = jnp.sum(atom_mask, axis=1)                               # [B]
    cosine_losses = 1.0 - jnp.sum(cos, axis=2) / denom[:, None]      # [B, G]
    cosine_losses = jnp.where(glob_mask, cosine_losses, jnp.inf)
    mi = jnp.argmin(cosine_losses, axis=1)                           # [B]
    min_vals = jnp.take_along_axis(cosine_losses, mi[:, None], axis=1)[:, 0]
    min_cos_loss = 0.0
    for b in range(B):
        min_cos_loss = min_cos_loss + min_vals[b]
    return (min_cos_loss / B, mi)

if __name__ == "__main__":
    import jax
    _d = setup_inputs()
    print(jax.jit(kernel)(*tuple(_d.values())))

</pallas_src>

<mosaic_0001>
#map = affine_map<(d0, d1) -> (0, 0, 0)>
module attributes {stable_mosaic.version = 14 : i64} {
  func.func @_sc_body(%arg0: i32, %arg1: i32, %arg2: memref<16x3x1024xf32, #tpu.memory_space<hbm>>, %arg3: memref<16x3x1024xf32, #tpu.memory_space<hbm>>, %arg4: memref<3x16x64xf32, #tpu.memory_space<hbm>>, %arg5: memref<4x64x16xf32, #tpu.memory_space<hbm>>, %arg6: memref<3x1024xf32, #tpu.memory_space<vmem>>, %arg7: memref<3x1024xf32, #tpu.memory_space<vmem>>, %arg8: memref<3x16xf32, #tpu.memory_space<vmem>>, %arg9: memref<8x16xf32, #tpu.memory_space<vmem>>, %arg10: memref<!tpu.dma_semaphore, #tpu.memory_space<semaphore_mem>>) attributes {dimension_semantics = [#tpu.dimension_semantics<core_parallel>, #tpu.dimension_semantics<subcore_parallel>], iteration_bounds = array<i64: 2, 16>, scalar_prefetch = 0 : i64, scratch_operands = 5 : i64, tpu.core_type = #tpu.core_type<sc_vector_subcore>, window_params = [{transform_indices = #map}, {transform_indices = #map}, {transform_indices = #map}, {transform_indices = #map}]} {
    %mul3A = arith.constant 2 : i32
    %mul3A_0 = arith.muli %arg1, %mul3A : i32
    %add3A = arith.addi %mul3A_0, %arg0 : i32
    %jit3A = arith.constant 8 : i32
    %div3A = arith.divsi %add3A, %jit3A : i32
    %sign3A = arith.constant 0 : i32
    %sign3A_1 = arith.cmpi sgt, %add3A, %sign3A : i32
    %sign3A_2 = arith.extui %sign3A_1 : i1 to i32
    %sign3A_3 = arith.constant 0 : i32
    %sign3A_4 = arith.cmpi slt, %add3A, %sign3A_3 : i32
    %sign3A_5 = arith.extui %sign3A_4 : i1 to i32
    %sign3A_6 = arith.subi %sign3A_2, %sign3A_5 : i32
    %sign3A_7 = arith.constant 0 : i32
    %sign3A_8 = arith.cmpi sgt, %jit3A, %sign3A_7 : i32
    %sign3A_9 = arith.extui %sign3A_8 : i1 to i32
    %sign3A_10 = arith.constant 0 : i32
    %sign3A_11 = arith.cmpi slt, %jit3A, %sign3A_10 : i32
    %sign3A_12 = arith.extui %sign3A_11 : i1 to i32
    %sign3A_13 = arith.subi %sign3A_9, %sign3A_12 : i32
    %ne3A = arith.cmpi ne, %sign3A_6, %sign3A_13 : i32
    %rem3A = arith.remsi %add3A, %jit3A : i32
    %ne3A_14 = arith.constant 0 : i32
    %ne3A_15 = arith.cmpi ne, %rem3A, %ne3A_14 : i32
    %and3A = arith.andi %ne3A, %ne3A_15 : i1
    %sub3A = arith.constant 1 : i32
    %sub3A_16 = arith.subi %div3A, %sub3A : i32
    %select_n3A = arith.select %and3A, %sub3A_16, %div3A : i32
    %add3A_17 = arith.constant 12 : i32
    %add3A_18 = arith.addi %add3A_17, %select_n3A : i32
    %jit3A_19 = arith.constant 8 : i32
    %eq3A = arith.constant 0 : i32
    %eq3A_20 = arith.cmpi eq, %jit3A_19, %eq3A : i32
    %jit3A_21 = arith.constant 1 : i32
    %select_n3A_22 = arith.select %eq3A_20, %jit3A_21, %jit3A_19 : i32
    %rem3A_23 = arith.remsi %add3A, %select_n3A_22 : i32
    %ne3A_24 = arith.constant 0 : i32
    %ne3A_25 = arith.cmpi ne, %rem3A_23, %ne3A_24 : i32
    %lt3A = arith.constant 0 : i32
    %lt3A_26 = arith.cmpi slt, %rem3A_23, %lt3A : i32
    %lt3A_27 = arith.constant 0 : i32
    %lt3A_28 = arith.cmpi slt, %select_n3A_22, %lt3A_27 : i32
    %ne3A_29 = arith.xori %lt3A_26, %lt3A_28 : i1
    %and3A_30 = arith.andi %ne3A_29, %ne3A_25 : i1
    %add3A_31 = arith.addi %rem3A_23, %select_n3A_22 : i32
    %select_n3A_32 = arith.select %and3A_30, %add3A_31, %rem3A_23 : i32
    %mul3A_33 = arith.constant 8 : i32
    %mul3A_34 = arith.muli %select_n3A_32, %mul3A_33 : i32
    %dma_start3A = arith.constant 0 : i32
    %dma_start3A_35 = arith.constant 0 : i32
    %dma_start3A_36 = tpu.memref_slice %arg2[%add3A_18, %dma_start3A, %dma_start3A_35] : memref<16x3x1024xf32, #tpu.memory_space<hbm>> -> memref<1x3x1024xf32, #tpu.memory_space<hbm>>
    %dma_start3A_37 = tpu.memref_squeeze %dma_start3A_36 : memref<1x3x1024xf32, #tpu.memory_space<hbm>> -> memref<3x1024xf32, #tpu.memory_space<hbm>>
    %dma_start3A_38 = arith.constant 0 : i32
    %dma_start3A_39 = arith.constant 0 : i32
    %dma_start3A_40 = tpu.memref_slice %arg2[%add3A_18, %dma_start3A_38, %dma_start3A_39] : memref<16x3x1024xf32, #tpu.memory_space<hbm>> -> memref<1x3x1024xf32, #tpu.memory_space<hbm>>
    %dma_start3A_41 = tpu.memref_squeeze %dma_start3A_40 : memref<1x3x1024xf32, #tpu.memory_space<hbm>> -> memref<3x1024xf32, #tpu.memory_space<hbm>>
    tpu.enqueue_dma source(%dma_start3A_41 : memref<3x1024xf32, #tpu.memory_space<hbm>>) target(%arg6 : memref<3x1024xf32, #tpu.memory_space<vmem>>) target_semaphore(%arg10 : memref<!tpu.dma_semaphore, #tpu.memory_space<semaphore_mem>>)
    %dma_start3A_42 = arith.constant 0 : i32
    %dma_start3A_43 = arith.constant 0 : i32
    %dma_start3A_44 = tpu.memref_slice %arg3[%add3A_18, %dma_start3A_42, %dma_start3A_43] : memref<16x3x1024xf32, #tpu.memory_space<hbm>> -> memref<1x3x1024xf32, #tpu.memory_space<hbm>>
    %dma_start3A_45 = tpu.memref_squeeze %dma_start3A_44 : memref<1x3x1024xf32, #tpu.memory_space<hbm>> -> memref<3x1024xf32, #tpu.memory_space<hbm>>
    %dma_start3A_46 = arith.constant 0 : i32
    %dma_start3A_47 = arith.constant 0 : i32
    %dma_start3A_48 = tpu.memref_slice %arg3[%add3A_18, %dma_start3A_46, %dma_start3A_47] : memref<16x3x1024xf32, #tpu.memory_space<hbm>> -> memref<1x3x1024xf32, #tpu.memory_space<hbm>>
    %dma_start3A_49 = tpu.memref_squeeze %dma_start3A_48 : memref<1x3x1024xf32, #tpu.memory_space<hbm>> -> memref<3x1024xf32, #tpu.memory_space<hbm>>
    tpu.enqueue_dma source(%dma_start3A_49 : memref<3x1024xf32, #tpu.memory_space<hbm>>) target(%arg7 : memref<3x1024xf32, #tpu.memory_space<vmem>>) target_semaphore(%arg10 : memref<!tpu.dma_semaphore, #tpu.memory_space<semaphore_mem>>)
    %dma_start3A_50 = arith.constant 0 : i32
    %dma_start3A_51 = arith.constant 0 : i32
    %dma_start3A_52 = arith.constant 0 : i32
    %dma_start3A_53 = tpu.memref_slice %arg8[%dma_start3A_51, %dma_start3A_52] : memref<3x16xf32, #tpu.memory_space<vmem>> -> memref<1x8xf32, #tpu.memory_space<vmem>>
    %dma_start3A_54 = tpu.memref_squeeze %dma_start3A_53 : memref<1x8xf32, #tpu.memory_space<vmem>> -> memref<8xf32, #tpu.memory_space<vmem>>
    %dma_start3A_55 = tpu.memref_slice %arg4[%dma_start3A_50, %add3A_18, %mul3A_34] : memref<3x16x64xf32, #tpu.memory_space<hbm>> -> memref<1x1x8xf32, #tpu.memory_space<hbm>>
    %dma_start3A_56 = tpu.memref_squeeze %dma_start3A_55 : memref<1x1x8xf32, #tpu.memory_space<hbm>> -> memref<8xf32, #tpu.memory_space<hbm>>
    %dma_start3A_57 = arith.constant 0 : i32
    %dma_start3A_58 = tpu.memref_slice %arg8[%dma_start3A_51, %dma_start3A_57] : memref<3x16xf32, #tpu.memory_space<vmem>> -> memref<1x8xf32, #tpu.memory_space<vmem>>
    %dma_start3A_59 = tpu.memref_squeeze %dma_start3A_58 : memref<1x8xf32, #tpu.memory_space<vmem>> -> memref<8xf32, #tpu.memory_space<vmem>>
    %dma_start3A_60 = tpu.memref_slice %arg4[%dma_start3A_50, %add3A_18, %mul3A_34] : memref<3x16x64xf32, #tpu.memory_space<hbm>> -> memref<1x1x8xf32, #tpu.memory_space<hbm>>
    %dma_start3A_61 = tpu.memref_squeeze %dma_start3A_60 : memref<1x1x8xf32, #tpu.memory_space<hbm>> -> memref<8xf32, #tpu.memory_space<hbm>>
    tpu.enqueue_dma source(%dma_start3A_61 : memref<8xf32, #tpu.memory_space<hbm>>) target(%dma_start3A_59 : memref<8xf32, #tpu.memory_space<vmem>>) target_semaphore(%arg10 : memref<!tpu.dma_semaphore, #tpu.memory_space<semaphore_mem>>)
    %dma_start3A_62 = arith.constant 1 : i32
    %dma_start3A_63 = arith.constant 1 : i32
    %dma_start3A_64 = arith.constant 0 : i32
    %dma_start3A_65 = tpu.memref_slice %arg8[%dma_start3A_63, %dma_start3A_64] : memref<3x16xf32, #tpu.memory_space<vmem>> -> memref<1x8xf32, #tpu.memory_space<vmem>>
    %dma_start3A_66 = tpu.memref_squeeze %dma_start3A_65 : memref<1x8xf32, #tpu.memory_space<vmem>> -> memref<8xf32, #tpu.memory_space<vmem>>
    %dma_start3A_67 = tpu.memref_slice %arg4[%dma_start3A_62, %add3A_18, %mul3A_34] : memref<3x16x64xf32, #tpu.memory_space<hbm>> -> memref<1x1x8xf32, #tpu.memory_space<hbm>>
    %dma_start3A_68 = tpu.memref_squeeze %dma_start3A_67 : memref<1x1x8xf32, #tpu.memory_space<hbm>> -> memref<8xf32, #tpu.memory_space<hbm>>
    %dma_start3A_69 = arith.constant 0 : i32
    %dma_start3A_70 = tpu.memref_slice %arg8[%dma_start3A_63, %dma_start3A_69] : memref<3x16xf32, #tpu.memory_space<vmem>> -> memref<1x8xf32, #tpu.memory_space<vmem>>
    %dma_start3A_71 = tpu.memref_squeeze %dma_start3A_70 : memref<1x8xf32, #tpu.memory_space<vmem>> -> memref<8xf32, #tpu.memory_space<vmem>>
    %dma_start3A_72 = tpu.memref_slice %arg4[%dma_start3A_62, %add3A_18, %mul3A_34] : memref<3x16x64xf32, #tpu.memory_space<hbm>> -> memref<1x1x8xf32, #tpu.memory_space<hbm>>
    %dma_start3A_73 = tpu.memref_squeeze %dma_start3A_72 : memref<1x1x8xf32, #tpu.memory_space<hbm>> -> memref<8xf32, #tpu.memory_space<hbm>>
    tpu.enqueue_dma source(%dma_start3A_73 : memref<8xf32, #tpu.memory_space<hbm>>) target(%dma_start3A_71 : memref<8xf32, #tpu.memory_space<vmem>>) target_semaphore(%arg10 : memref<!tpu.dma_semaphore, #tpu.memory_space<semaphore_mem>>)
    %dma_start3A_74 = arith.constant 2 : i32
    %dma_start3A_75 = arith.constant 2 : i32
    %dma_start3A_76 = arith.constant 0 : i32
    %dma_start3A_77 = tpu.memref_slice %arg8[%dma_start3A_75, %dma_start3A_76] : memref<3x16xf32, #tpu.memory_space<vmem>> -> memref<1x8xf32, #tpu.memory_space<vmem>>
    %dma_start3A_78 = tpu.memref_squeeze %dma_start3A_77 : memref<1x8xf32, #tpu.memory_space<vmem>> -> memref<8xf32, #tpu.memory_space<vmem>>
    %dma_start3A_79 = tpu.memref_slice %arg4[%dma_start3A_74, %add3A_18, %mul3A_34] : memref<3x16x64xf32, #tpu.memory_space<hbm>> -> memref<1x1x8xf32, #tpu.memory_space<hbm>>
    %dma_start3A_80 = tpu.memref_squeeze %dma_start3A_79 : memref<1x1x8xf32, #tpu.memory_space<hbm>> -> memref<8xf32, #tpu.memory_space<hbm>>
    %dma_start3A_81 = arith.constant 0 : i32
    %dma_start3A_82 = tpu.memref_slice %arg8[%dma_start3A_75, %dma_start3A_81] : memref<3x16xf32, #tpu.memory_space<vmem>> -> memref<1x8xf32, #tpu.memory_space<vmem>>
    %dma_start3A_83 = tpu.memref_squeeze %dma_start3A_82 : memref<1x8xf32, #tpu.memory_space<vmem>> -> memref<8xf32, #tpu.memory_space<vmem>>
    %dma_start3A_84 = tpu.memref_slice %arg4[%dma_start3A_74, %add3A_18, %mul3A_34] : memref<3x16x64xf32, #tpu.memory_space<hbm>> -> memref<1x1x8xf32, #tpu.memory_space<hbm>>
    %dma_start3A_85 = tpu.memref_squeeze %dma_start3A_84 : memref<1x1x8xf32, #tpu.memory_space<hbm>> -> memref<8xf32, #tpu.memory_space<hbm>>
    tpu.enqueue_dma source(%dma_start3A_85 : memref<8xf32, #tpu.memory_space<hbm>>) target(%dma_start3A_83 : memref<8xf32, #tpu.memory_space<vmem>>) target_semaphore(%arg10 : memref<!tpu.dma_semaphore, #tpu.memory_space<semaphore_mem>>)
    %dma_wait3A = arith.constant 0 : i32
    %dma_wait3A_86 = arith.constant 0 : i32
    %dma_wait3A_87 = tpu.memref_slice %arg2[%add3A_18, %dma_wait3A, %dma_wait3A_86] : memref<16x3x1024xf32, #tpu.memory_space<hbm>> -> memref<1x3x1024xf32, #tpu.memory_space<hbm>>
    %dma_wait3A_88 = tpu.memref_squeeze %dma_wait3A_87 : memref<1x3x1024xf32, #tpu.memory_space<hbm>> -> memref<3x1024xf32, #tpu.memory_space<hbm>>
    %dma_wait3A_89 = arith.constant 0 : i32
    %dma_wait3A_90 = arith.constant 0 : i32
    %dma_wait3A_91 = tpu.memref_slice %arg2[%add3A_18, %dma_wait3A_89, %dma_wait3A_90] : memref<16x3x1024xf32, #tpu.memory_space<hbm>> -> memref<1x3x1024xf32, #tpu.memory_space<hbm>>
    %dma_wait3A_92 = tpu.memref_squeeze %dma_wait3A_91 : memref<1x3x1024xf32, #tpu.memory_space<hbm>> -> memref<3x1024xf32, #tpu.memory_space<hbm>>
    tpu.wait_dma2 semaphore(%arg10 : memref<!tpu.dma_semaphore, #tpu.memory_space<semaphore_mem>>) src(%dma_wait3A_92 : memref<3x1024xf32, #tpu.memory_space<hbm>>) dst(%arg6 : memref<3x1024xf32, #tpu.memory_space<vmem>>)
    %dma_wait3A_93 = arith.constant 0 : i32
    %dma_wait3A_94 = arith.constant 0 : i32
    %dma_wait3A_95 = tpu.memref_slice %arg3[%add3A_18, %dma_wait3A_93, %dma_wait3A_94] : memref<16x3x1024xf32, #tpu.memory_space<hbm>> -> memref<1x3x1024xf32, #tpu.memory_space<hbm>>
    %dma_wait3A_96 = tpu.memref_squeeze %dma_wait3A_95 : memref<1x3x1024xf32, #tpu.memory_space<hbm>> -> memref<3x1024xf32, #tpu.memory_space<hbm>>
    %dma_wait3A_97 = arith.constant 0 : i32
    %dma_wait3A_98 = arith.constant 0 : i32
    %dma_wait3A_99 = tpu.memref_slice %arg3[%add3A_18, %dma_wait3A_97, %dma_wait3A_98] : memref<16x3x1024xf32, #tpu.memory_space<hbm>> -> memref<1x3x1024xf32, #tpu.memory_space<hbm>>
    %dma_wait3A_100 = tpu.memref_squeeze %dma_wait3A_99 : memref<1x3x1024xf32, #tpu.memory_space<hbm>> -> memref<3x1024xf32, #tpu.memory_space<hbm>>
    tpu.wait_dma2 semaphore(%arg10 : memref<!tpu.dma_semaphore, #tpu.memory_space<semaphore_mem>>) src(%dma_wait3A_100 : memref<3x1024xf32, #tpu.memory_space<hbm>>) dst(%arg7 : memref<3x1024xf32, #tpu.memory_space<vmem>>)
    %dma_wait3A_101 = arith.constant 0 : i32
    %dma_wait3A_102 = arith.constant 0 : i32
    %dma_wait3A_103 = arith.constant 0 : i32
    %dma_wait3A_104 = tpu.memref_slice %arg8[%dma_wait3A_102, %dma_wait3A_103] : memref<3x16xf32, #tpu.memory_space<vmem>> -> memref<1x8xf32, #tpu.memory_space<vmem>>
    %dma_wait3A_105 = tpu.memref_squeeze %dma_wait3A_104 : memref<1x8xf32, #tpu.memory_space<vmem>> -> memref<8xf32, #tpu.memory_space<vmem>>
    %dma_wait3A_106 = tpu.memref_slice %arg4[%dma_wait3A_101, %add3A_18, %mul3A_34] : memref<3x16x64xf32, #tpu.memory_space<hbm>> -> memref<1x1x8xf32, #tpu.memory_space<hbm>>
    %dma_wait3A_107 = tpu.memref_squeeze %dma_wait3A_106 : memref<1x1x8xf32, #tpu.memory_space<hbm>> -> memref<8xf32, #tpu.memory_space<hbm>>
    %dma_wait3A_108 = arith.constant 0 : i32
    %dma_wait3A_109 = tpu.memref_slice %arg8[%dma_wait3A_102, %dma_wait3A_108] : memref<3x16xf32, #tpu.memory_space<vmem>> -> memref<1x8xf32, #tpu.memory_space<vmem>>
    %dma_wait3A_110 = tpu.memref_squeeze %dma_wait3A_109 : memref<1x8xf32, #tpu.memory_space<vmem>> -> memref<8xf32, #tpu.memory_space<vmem>>
    %dma_wait3A_111 = tpu.memref_slice %arg4[%dma_wait3A_101, %add3A_18, %mul3A_34] : memref<3x16x64xf32, #tpu.memory_space<hbm>> -> memref<1x1x8xf32, #tpu.memory_space<hbm>>
    %dma_wait3A_112 = tpu.memref_squeeze %dma_wait3A_111 : memref<1x1x8xf32, #tpu.memory_space<hbm>> -> memref<8xf32, #tpu.memory_space<hbm>>
    tpu.wait_dma2 semaphore(%arg10 : memref<!tpu.dma_semaphore, #tpu.memory_space<semaphore_mem>>) src(%dma_wait3A_112 : memref<8xf32, #tpu.memory_space<hbm>>) dst(%dma_wait3A_110 : memref<8xf32, #tpu.memory_space<vmem>>)
    %dma_wait3A_113 = arith.constant 1 : i32
    %dma_wait3A_114 = arith.constant 1 : i32
    %dma_wait3A_115 = arith.constant 0 : i32
    %dma_wait3A_116 = tpu.memref_slice %arg8[%dma_wait3A_114, %dma_wait3A_115] : memref<3x16xf32, #tpu.memory_space<vmem>> -> memref<1x8xf32, #tpu.memory_space<vmem>>
    %dma_wait3A_117 = tpu.memref_squeeze %dma_wait3A_116 : memref<1x8xf32, #tpu.memory_space<vmem>> -> memref<8xf32, #tpu.memory_space<vmem>>
    %dma_wait3A_118 = tpu.memref_slice %arg4[%dma_wait3A_113, %add3A_18, %mul3A_34] : memref<3x16x64xf32, #tpu.memory_space<hbm>> -> memref<1x1x8xf32, #tpu.memory_space<hbm>>
    %dma_wait3A_119 = tpu.memref_squeeze %dma_wait3A_118 : memref<1x1x8xf32, #tpu.memory_space<hbm>> -> memref<8xf32, #tpu.memory_space<hbm>>
    %dma_wait3A_120 = arith.constant 0 : i32
    %dma_wait3A_121 = tpu.memref_slice %arg8[%dma_wait3A_114, %dma_wait3A_120] : memref<3x16xf32, #tpu.memory_space<vmem>> -> memref<1x8xf32, #tpu.memory_space<vmem>>
    %dma_wait3A_122 = tpu.memref_squeeze %dma_wait3A_121 : memref<1x8xf32, #tpu.memory_space<vmem>> -> memref<8xf32, #tpu.memory_space<vmem>>
    %dma_wait3A_123 = tpu.memref_slice %arg4[%dma_wait3A_113, %add3A_18, %mul3A_34] : memref<3x16x64xf32, #tpu.memory_space<hbm>> -> memref<1x1x8xf32, #tpu.memory_space<hbm>>
    %dma_wait3A_124 = tpu.memref_squeeze %dma_wait3A_123 : memref<1x1x8xf32, #tpu.memory_space<hbm>> -> memref<8xf32, #tpu.memory_space<hbm>>
    tpu.wait_dma2 semaphore(%arg10 : memref<!tpu.dma_semaphore, #tpu.memory_space<semaphore_mem>>) src(%dma_wait3A_124 : memref<8xf32, #tpu.memory_space<hbm>>) dst(%dma_wait3A_122 : memref<8xf32, #tpu.memory_space<vmem>>)
    %dma_wait3A_125 = arith.constant 2 : i32
    %dma_wait3A_126 = arith.constant 2 : i32
    %dma_wait3A_127 = arith.constant 0 : i32
    %dma_wait3A_128 = tpu.memref_slice %arg8[%dma_wait3A_126, %dma_wait3A_127] : memref<3x16xf32, #tpu.memory_space<vmem>> -> memref<1x8xf32, #tpu.memory_space<vmem>>
    %dma_wait3A_129 = tpu.memref_squeeze %dma_wait3A_128 : memref<1x8xf32, #tpu.memory_space<vmem>> -> memref<8xf32, #tpu.memory_space<vmem>>
    %dma_wait3A_130 = tpu.memref_slice %arg4[%dma_wait3A_125, %add3A_18, %mul3A_34] : memref<3x16x64xf32, #tpu.memory_space<hbm>> -> memref<1x1x8xf32, #tpu.memory_space<hbm>>
    %dma_wait3A_131 = tpu.memref_squeeze %dma_wait3A_130 : memref<1x1x8xf32, #tpu.memory_space<hbm>> -> memref<8xf32, #tpu.memory_space<hbm>>
    %dma_wait3A_132 = arith.constant 0 : i32
    %dma_wait3A_133 = tpu.memref_slice %arg8[%dma_wait3A_126, %dma_wait3A_132] : memref<3x16xf32, #tpu.memory_space<vmem>> -> memref<1x8xf32, #tpu.memory_space<vmem>>
    %dma_wait3A_134 = tpu.memref_squeeze %dma_wait3A_133 : memref<1x8xf32, #tpu.memory_space<vmem>> -> memref<8xf32, #tpu.memory_space<vmem>>
    %dma_wait3A_135 = tpu.memref_slice %arg4[%dma_wait3A_125, %add3A_18, %mul3A_34] : memref<3x16x64xf32, #tpu.memory_space<hbm>> -> memref<1x1x8xf32, #tpu.memory_space<hbm>>
    %dma_wait3A_136 = tpu.memref_squeeze %dma_wait3A_135 : memref<1x1x8xf32, #tpu.memory_space<hbm>> -> memref<8xf32, #tpu.memory_space<hbm>>
    tpu.wait_dma2 semaphore(%arg10 : memref<!tpu.dma_semaphore, #tpu.memory_space<semaphore_mem>>) src(%dma_wait3A_136 : memref<8xf32, #tpu.memory_space<hbm>>) dst(%dma_wait3A_134 : memref<8xf32, #tpu.memory_space<vmem>>)
    %scan3A = arith.constant 0 : i32
    %scan3A_137 = arith.constant 0 : i32
    %scan3A_138 = arith.constant 64 : i32
    %scan3A_139 = arith.addi %scan3A_137, %scan3A_138 : i32
    %scan3A_140 = arith.constant 1 : i32
    scf.for %scan3A_294 = %scan3A_137 to %scan3A_139 step %scan3A_140  : i32 {
      %mul3A_295 = arith.constant 16 : i32
      %mul3A_296 = arith.muli %scan3A_294, %mul3A_295 : i32
      %get3A_297 = arith.constant 0 : i32
      %get3A_298 = arith.index_cast %get3A_297 : i32 to index
      %get3A_299 = arith.index_cast %mul3A_296 : i32 to index
      %get3A_300 = tpu.vector_load %arg7[%get3A_298, %get3A_299] {strides = array<i32>} : memref<3x1024xf32, #tpu.memory_space<vmem>>, vector<1x16xf32>,
      %get3A_301 = vector.shape_cast %get3A_300 : vector<1x16xf32> to vector<16xf32>
      %get3A_302 = arith.constant 1 : i32
      %get3A_303 = arith.index_cast %get3A_302 : i32 to index
      %get3A_304 = arith.index_cast %mul3A_296 : i32 to index
      %get3A_305 = tpu.vector_load %arg7[%get3A_303, %get3A_304] {strides = array<i32>} : memref<3x1024xf32, #tpu.memory_space<vmem>>, vector<1x16xf32>,
      %get3A_306 = vector.shape_cast %get3A_305 : vector<1x16xf32> to vector<16xf32>
      %get3A_307 = arith.constant 2 : i32
      %get3A_308 = arith.index_cast %get3A_307 : i32 to index
      %get3A_309 = arith.index_cast %mul3A_296 : i32 to index
      %get3A_310 = tpu.vector_load %arg7[%get3A_308, %get3A_309] {strides = array<i32>} : memref<3x1024xf32, #tpu.memory_space<vmem>>, vector<1x16xf32>,
      %get3A_311 = vector.shape_cast %get3A_310 : vector<1x16xf32> to vector<16xf32>
      %mul3A_312 = arith.mulf %get3A_301, %get3A_301 : vector<16xf32>
      %mul3A_313 = arith.mulf %get3A_306, %get3A_306 : vector<16xf32>
      %add3A_314 = arith.addf %mul3A_312, %mul3A_313 : vector<16xf32>
      %mul3A_315 = arith.mulf %get3A_311, %get3A_311 : vector<16xf32>
      %add3A_316 = arith.addf %add3A_314, %mul3A_315 : vector<16xf32>
      %max3A = arith.constant 1.000000e-30 : f32
      %max3A_317 = vector.broadcast %max3A : f32 to vector<16xf32>
      %max3A_318 = arith.maximumf %add3A_316, %max3A_317 : vector<16xf32>
      %bitcast_convert_type3A = tpu.bitcast %max3A_318 : vector<16xf32> -> vector<16xi32>
      %shift_right_arithmetic3A = arith.constant 1 : i32
      %shift_right_arithmetic3A_319 = vector.broadcast %shift_right_arithmetic3A : i32 to vector<16xi32>
      %shift_right_arithmetic3A_320 = arith.shrsi %bitcast_convert_type3A, %shift_right_arithmetic3A_319 : vector<16xi32>
      %sub3A_321 = arith.constant 1597463007 : i32
      %sub3A_322 = vector.broadcast %sub3A_321 : i32 to vector<16xi32>
      %sub3A_323 = arith.subi %sub3A_322, %shift_right_arithmetic3A_320 : vector<16xi32>
      %bitcast_convert_type3A_324 = tpu.bitcast %sub3A_323 : vector<16xi32> -> vector<16xf32>
      %mul3A_325 = arith.constant 5.000000e-01 : f32
      %mul3A_326 = vector.broadcast %mul3A_325 : f32 to vector<16xf32>
      %mul3A_327 = arith.mulf %mul3A_326, %max3A_318 : vector<16xf32>
      %mul3A_328 = arith.mulf %mul3A_327, %bitcast_convert_type3A_324 : vector<16xf32>
      %mul3A_329 = arith.mulf %mul3A_328, %bitcast_convert_type3A_324 : vector<16xf32>
      %sub3A_330 = arith.constant 1.500000e+00 : f32
      %sub3A_331 = vector.broadcast %sub3A_330 : f32 to vector<16xf32>
      %sub3A_332 = arith.subf %sub3A_331, %mul3A_329 : vector<16xf32>
      %mul3A_333 = arith.mulf %bitcast_convert_type3A_324, %sub3A_332 : vector<16xf32>
      %mul3A_334 = arith.mulf %mul3A_327, %mul3A_333 : vector<16xf32>
      %mul3A_335 = arith.mulf %mul3A_334, %mul3A_333 : vector<16xf32>
      %sub3A_336 = arith.constant 1.500000e+00 : f32
      %sub3A_337 = vector.broadcast %sub3A_336 : f32 to vector<16xf32>
      %sub3A_338 = arith.subf %sub3A_337, %mul3A_335 : vector<16xf32>
      %mul3A_339 = arith.mulf %mul3A_333, %sub3A_338 : vector<16xf32>
      %mul3A_340 = arith.mulf %mul3A_327, %mul3A_339 : vector<16xf32>
      %mul3A_341 = arith.mulf %mul3A_340, %mul3A_339 : vector<16xf32>
      %sub3A_342 = arith.constant 1.500000e+00 : f32
      %sub3A_343 = vector.broadcast %sub3A_342 : f32 to vector<16xf32>
      %sub3A_344 = arith.subf %sub3A_343, %mul3A_341 : vector<16xf32>
      %mul3A_345 = arith.mulf %mul3A_339, %sub3A_344 : vector<16xf32>
      %min3A = arith.constant 1.000000e+08 : f32
      %min3A_346 = vector.broadcast %min3A : f32 to vector<16xf32>
      %min3A_347 = arith.minimumf %mul3A_345, %min3A_346 : vector<16xf32>
      %mul3A_348 = arith.mulf %get3A_301, %min3A_347 : vector<16xf32>
      %swap3A_349 = arith.constant 0 : i32
      %swap3A_350 = arith.index_cast %swap3A_349 : i32 to index
      %swap3A_351 = arith.index_cast %mul3A_296 : i32 to index
      %swap3A_352 = tpu.vector_load %arg7[%swap3A_350, %swap3A_351] {strides = array<i32>} : memref<3x1024xf32, #tpu.memory_space<vmem>>, vector<1x16xf32>,
      %swap3A_353 = vector.shape_cast %swap3A_352 : vector<1x16xf32> to vector<16xf32>
      %swap3A_354 = vector.shape_cast %mul3A_348 : vector<16xf32> to vector<1x16xf32>
      tpu.vector_store %arg7[%swap3A_350, %swap3A_351], %swap3A_354 {strides = array<i32>} : memref<3x1024xf32, #tpu.memory_space<vmem>>, vector<1x16xf32>,
      %mul3A_355 = arith.mulf %get3A_306, %min3A_347 : vector<16xf32>
      %swap3A_356 = arith.constant 1 : i32
      %swap3A_357 = arith.index_cast %swap3A_356 : i32 to index
      %swap3A_358 = arith.index_cast %mul3A_296 : i32 to index
      %swap3A_359 = tpu.vector_load %arg7[%swap3A_357, %swap3A_358] {strides = array<i32>} : memref<3x1024xf32, #tpu.memory_space<vmem>>, vector<1x16xf32>,
      %swap3A_360 = vector.shape_cast %swap3A_359 : vector<1x16xf32> to vector<16xf32>
      %swap3A_361 = vector.shape_cast %mul3A_355 : vector<16xf32> to vector<1x16xf32>
      tpu.vector_store %arg7[%swap3A_357, %swap3A_358], %swap3A_361 {strides = array<i32>} : memref<3x1024xf32, #tpu.memory_space<vmem>>, vector<1x16xf32>,
      %mul3A_362 = arith.mulf %get3A_311, %min3A_347 : vector<16xf32>
      %swap3A_363 = arith.constant 2 : i32
      %swap3A_364 = arith.index_cast %swap3A_363 : i32 to index
      %swap3A_365 = arith.index_cast %mul3A_296 : i32 to index
      %swap3A_366 = tpu.vector_load %arg7[%swap3A_364, %swap3A_365] {strides = array<i32>} : memref<3x1024xf32, #tpu.memory_space<vmem>>, vector<1x16xf32>,
      %swap3A_367 = vector.shape_cast %swap3A_366 : vector<1x16xf32> to vector<16xf32>
      %swap3A_368 = vector.shape_cast %mul3A_362 : vector<16xf32> to vector<1x16xf32>
      tpu.vector_store %arg7[%swap3A_364, %swap3A_365], %swap3A_368 {strides = array<i32>} : memref<3x1024xf32, #tpu.memory_space<vmem>>, vector<1x16xf32>,
    }
    %scan3A_141 = arith.constant 64 : i32
    %get3A = arith.constant 0 : i32
    %get3A_142 = arith.index_cast %get3A : i32 to index
    %get3A_143 = arith.constant 0 : index
    %get3A_144 = tpu.vector_load %arg8[%get3A_142, %get3A_143] {strides = array<i32>} : memref<3x16xf32, #tpu.memory_space<vmem>>, vector<1x16xf32>,
    %get3A_145 = vector.shape_cast %get3A_144 : vector<1x16xf32> to vector<16xf32>
    %get3A_146 = arith.constant 1 : i32
    %get3A_147 = arith.index_cast %get3A_146 : i32 to index
    %get3A_148 = arith.constant 0 : index
    %get3A_149 = tpu.vector_load %arg8[%get3A_147, %get3A_148] {strides = array<i32>} : memref<3x16xf32, #tpu.memory_space<vmem>>, vector<1x16xf32>,
    %get3A_150 = vector.shape_cast %get3A_149 : vector<1x16xf32> to vector<16xf32>
    %get3A_151 = arith.constant 2 : i32
    %get3A_152 = arith.index_cast %get3A_151 : i32 to index
    %get3A_153 = arith.constant 0 : index
    %get3A_154 = tpu.vector_load %arg8[%get3A_152, %get3A_153] {strides = array<i32>} : memref<3x16xf32, #tpu.memory_space<vmem>>, vector<1x16xf32>,
    %get3A_155 = vector.shape_cast %get3A_154 : vector<1x16xf32> to vector<16xf32>
    %slice3A = vector.extract_strided_slice %get3A_145 {offsets = [0], sizes = [1], strides = [1]} : vector<16xf32> to vector<1xf32>
    %squeeze3A = vector.extract %slice3A[0] : f32 from vector<1xf32>
    %broadcast_in_dim3A = vector.broadcast %squeeze3A : f32 to vector<16xf32>
    %slice3A_156 = vector.extract_strided_slice %get3A_145 {offsets = [1], sizes = [1], strides = [1]} : vector<16xf32> to vector<1xf32>
    %squeeze3A_157 = vector.extract %slice3A_156[0] : f32 from vector<1xf32>
    %broadcast_in_dim3A_158 = vector.broadcast %squeeze3A_157 : f32 to vector<16xf32>
    %slice3A_159 = vector.extract_strided_slice %get3A_145 {offsets = [2], sizes = [1], strides = [1]} : vector<16xf32> to vector<1xf32>
    %squeeze3A_160 = vector.extract %slice3A_159[0] : f32 from vector<1xf32>
    %broadcast_in_dim3A_161 = vector.broadcast %squeeze3A_160 : f32 to vector<16xf32>
    %slice3A_162 = vector.extract_strided_slice %get3A_145 {offsets = [3], sizes = [1], strides = [1]} : vector<16xf32> to vector<1xf32>
    %squeeze3A_163 = vector.extract %slice3A_162[0] : f32 from vector<1xf32>
    %broadcast_in_dim3A_164 = vector.broadcast %squeeze3A_163 : f32 to vector<16xf32>
    %slice3A_165 = vector.extract_strided_slice %get3A_145 {offsets = [4], sizes = [1], strides = [1]} : vector<16xf32> to vector<1xf32>
    %squeeze3A_166 = vector.extract %slice3A_165[0] : f32 from vector<1xf32>
    %broadcast_in_dim3A_167 = vector.broadcast %squeeze3A_166 : f32 to vector<16xf32>
    %slice3A_168 = vector.extract_strided_slice %get3A_145 {offsets = [5], sizes = [1], strides = [1]} : vector<16xf32> to vector<1xf32>
    %squeeze3A_169 = vector.extract %slice3A_168[0] : f32 from vector<1xf32>
    %broadcast_in_dim3A_170 = vector.broadcast %squeeze3A_169 : f32 to vector<16xf32>
    %slice3A_171 = vector.extract_strided_slice %get3A_145 {offsets = [6], sizes = [1], strides = [1]} : vector<16xf32> to vector<1xf32>
    %squeeze3A_172 = vector.extract %slice3A_171[0] : f32 from vector<1xf32>
    %broadcast_in_dim3A_173 = vector.broadcast %squeeze3A_172 : f32 to vector<16xf32>
    %slice3A_174 = vector.extract_strided_slice %get3A_145 {offsets = [7], sizes = [1], strides = [1]} : vector<16xf32> to vector<1xf32>
    %squeeze3A_175 = vector.extract %slice3A_174[0] : f32 from vector<1xf32>
    %broadcast_in_dim3A_176 = vector.broadcast %squeeze3A_175 : f32 to vector<16xf32>
    %slice3A_177 = vector.extract_strided_slice %get3A_150 {offsets = [0], sizes = [1], strides = [1]} : vector<16xf32> to vector<1xf32>
    %squeeze3A_178 = vector.extract %slice3A_177[0] : f32 from vector<1xf32>
    %broadcast_in_dim3A_179 = vector.broadcast %squeeze3A_178 : f32 to vector<16xf32>
    %slice3A_180 = vector.extract_strided_slice %get3A_150 {offsets = [1], sizes = [1], strides = [1]} : vector<16xf32> to vector<1xf32>
    %squeeze3A_181 = vector.extract %slice3A_180[0] : f32 from vector<1xf32>
    %broadcast_in_dim3A_182 = vector.broadcast %squeeze3A_181 : f32 to vector<16xf32>
    %slice3A_183 = vector.extract_strided_slice %get3A_150 {offsets = [2], sizes = [1], strides = [1]} : vector<16xf32> to vector<1xf32>
    %squeeze3A_184 = vector.extract %slice3A_183[0] : f32 from vector<1xf32>
    %broadcast_in_dim3A_185 = vector.broadcast %squeeze3A_184 : f32 to vector<16xf32>
    %slice3A_186 = vector.extract_strided_slice %get3A_150 {offsets = [3], sizes = [1], strides = [1]} : vector<16xf32> to vector<1xf32>
    %squeeze3A_187 = vector.extract %slice3A_186[0] : f32 from vector<1xf32>
    %broadcast_in_dim3A_188 = vector.broadcast %squeeze3A_187 : f32 to vector<16xf32>
    %slice3A_189 = vector.extract_strided_slice %get3A_150 {offsets = [4], sizes = [1], strides = [1]} : vector<16xf32> to vector<1xf32>
    %squeeze3A_190 = vector.extract %slice3A_189[0] : f32 from vector<1xf32>
    %broadcast_in_dim3A_191 = vector.broadcast %squeeze3A_190 : f32 to vector<16xf32>
    %slice3A_192 = vector.extract_strided_slice %get3A_150 {offsets = [5], sizes = [1], strides = [1]} : vector<16xf32> to vector<1xf32>
    %squeeze3A_193 = vector.extract %slice3A_192[0] : f32 from vector<1xf32>
    %broadcast_in_dim3A_194 = vector.broadcast %squeeze3A_193 : f32 to vector<16xf32>
    %slice3A_195 = vector.extract_strided_slice %get3A_150 {offsets = [6], sizes = [1], strides = [1]} : vector<16xf32> to vector<1xf32>
    %squeeze3A_196 = vector.extract %slice3A_195[0] : f32 from vector<1xf32>
    %broadcast_in_dim3A_197 = vector.broadcast %squeeze3A_196 : f32 to vector<16xf32>
    %slice3A_198 = vector.extract_strided_slice %get3A_150 {offsets = [7], sizes = [1], strides = [1]} : vector<16xf32> to vector<1xf32>
    %squeeze3A_199 = vector.extract %slice3A_198[0] : f32 from vector<1xf32>
    %broadcast_in_dim3A_200 = vector.broadcast %squeeze3A_199 : f32 to vector<16xf32>
    %slice3A_201 = vector.extract_strided_slice %get3A_155 {offsets = [0], sizes = [1], strides = [1]} : vector<16xf32> to vector<1xf32>
    %squeeze3A_202 = vector.extract %slice3A_201[0] : f32 from vector<1xf32>
    %broadcast_in_dim3A_203 = vector.broadcast %squeeze3A_202 : f32 to vector<16xf32>
    %slice3A_204 = vector.extract_strided_slice %get3A_155 {offsets = [1], sizes = [1], strides = [1]} : vector<16xf32> to vector<1xf32>
    %squeeze3A_205 = vector.extract %slice3A_204[0] : f32 from vector<1xf32>
    %broadcast_in_dim3A_206 = vector.broadcast %squeeze3A_205 : f32 to vector<16xf32>
    %slice3A_207 = vector.extract_strided_slice %get3A_155 {offsets = [2], sizes = [1], strides = [1]} : vector<16xf32> to vector<1xf32>
    %squeeze3A_208 = vector.extract %slice3A_207[0] : f32 from vector<1xf32>
    %broadcast_in_dim3A_209 = vector.broadcast %squeeze3A_208 : f32 to vector<16xf32>
    %slice3A_210 = vector.extract_strided_slice %get3A_155 {offsets = [3], sizes = [1], strides = [1]} : vector<16xf32> to vector<1xf32>
    %squeeze3A_211 = vector.extract %slice3A_210[0] : f32 from vector<1xf32>
    %broadcast_in_dim3A_212 = vector.broadcast %squeeze3A_211 : f32 to vector<16xf32>
    %slice3A_213 = vector.extract_strided_slice %get3A_155 {offsets = [4], sizes = [1], strides = [1]} : vector<16xf32> to vector<1xf32>
    %squeeze3A_214 = vector.extract %slice3A_213[0] : f32 from vector<1xf32>
    %broadcast_in_dim3A_215 = vector.broadcast %squeeze3A_214 : f32 to vector<16xf32>
    %slice3A_216 = vector.extract_strided_slice %get3A_155 {offsets = [5], sizes = [1], strides = [1]} : vector<16xf32> to vector<1xf32>
    %squeeze3A_217 = vector.extract %slice3A_216[0] : f32 from vector<1xf32>
    %broadcast_in_dim3A_218 = vector.broadcast %squeeze3A_217 : f32 to vector<16xf32>
    %slice3A_219 = vector.extract_strided_slice %get3A_155 {offsets = [6], sizes = [1], strides = [1]} : vector<16xf32> to vector<1xf32>
    %squeeze3A_220 = vector.extract %slice3A_219[0] : f32 from vector<1xf32>
    %broadcast_in_dim3A_221 = vector.broadcast %squeeze3A_220 : f32 to vector<16xf32>
    %slice3A_222 = vector.extract_strided_slice %get3A_155 {offsets = [7], sizes = [1], strides = [1]} : vector<16xf32> to vector<1xf32>
    %squeeze3A_223 = vector.extract %slice3A_222[0] : f32 from vector<1xf32>
    %broadcast_in_dim3A_224 = vector.broadcast %squeeze3A_223 : f32 to vector<16xf32>
    %broadcast_in_dim3A_225 = arith.constant 0.000000e+00 : f32
    %broadcast_in_dim3A_226 = vector.broadcast %broadcast_in_dim3A_225 : f32 to vector<16xf32>
    %broadcast_in_dim3A_227 = arith.constant 0.000000e+00 : f32
    %broadcast_in_dim3A_228 = vector.broadcast %broadcast_in_dim3A_227 : f32 to vector<16xf32>
    %broadcast_in_dim3A_229 = arith.constant 0.000000e+00 : f32
    %broadcast_in_dim3A_230 = vector.broadcast %broadcast_in_dim3A_229 : f32 to vector<16xf32>
    %broadcast_in_dim3A_231 = arith.constant 0.000000e+00 : f32
    %broadcast_in_dim3A_232 = vector.broadcast %broadcast_in_dim3A_231 : f32 to vector<16xf32>
    %broadcast_in_dim3A_233 = arith.constant 0.000000e+00 : f32
    %broadcast_in_dim3A_234 = vector.broadcast %broadcast_in_dim3A_233 : f32 to vector<16xf32>
    %broadcast_in_dim3A_235 = arith.constant 0.000000e+00 : f32
    %broadcast_in_dim3A_236 = vector.broadcast %broadcast_in_dim3A_235 : f32 to vector<16xf32>
    %broadcast_in_dim3A_237 = arith.constant 0.000000e+00 : f32
    %broadcast_in_dim3A_238 = vector.broadcast %broadcast_in_dim3A_237 : f32 to vector<16xf32>
    %broadcast_in_dim3A_239 = arith.constant 0.000000e+00 : f32
    %broadcast_in_dim3A_240 = vector.broadcast %broadcast_in_dim3A_239 : f32 to vector<16xf32>
    %scan3A_241 = arith.constant 0 : i32
    %scan3A_242 = arith.constant 64 : i32
    %scan3A_243 = arith.addi %scan3A_241, %scan3A_242 : i32
    %scan3A_244 = arith.constant 1 : i32
    %scan3A_245:8 = scf.for %scan3A_294 = %scan3A_241 to %scan3A_243 step %scan3A_244 iter_args(%scan3A_295 = %broadcast_in_dim3A_226, %scan3A_296 = %broadcast_in_dim3A_228, %scan3A_297 = %broadcast_in_dim3A_230, %scan3A_298 = %broadcast_in_dim3A_232, %scan3A_299 = %broadcast_in_dim3A_234, %scan3A_300 = %broadcast_in_dim3A_236, %scan3A_301 = %broadcast_in_dim3A_238, %scan3A_302 = %broadcast_in_dim3A_240) -> (vector<16xf32>, vector<16xf32>, vector<16xf32>, vector<16xf32>, vector<16xf32>, vector<16xf32>, vector<16xf32>, vector<16xf32>)  : i32 {
      %mul3A_303 = arith.constant 16 : i32
      %mul3A_304 = arith.muli %scan3A_294, %mul3A_303 : i32
      %get3A_305 = arith.constant 0 : i32
      %get3A_306 = arith.index_cast %get3A_305 : i32 to index
      %get3A_307 = arith.index_cast %mul3A_304 : i32 to index
      %get3A_308 = tpu.vector_load %arg6[%get3A_306, %get3A_307] {strides = array<i32>} : memref<3x1024xf32, #tpu.memory_space<vmem>>, vector<1x16xf32>,
      %get3A_309 = vector.shape_cast %get3A_308 : vector<1x16xf32> to vector<16xf32>
      %get3A_310 = arith.constant 1 : i32
      %get3A_311 = arith.index_cast %get3A_310 : i32 to index
      %get3A_312 = arith.index_cast %mul3A_304 : i32 to index
      %get3A_313 = tpu.vector_load %arg6[%get3A_311, %get3A_312] {strides = array<i32>} : memref<3x1024xf32, #tpu.memory_space<vmem>>, vector<1x16xf32>,
      %get3A_314 = vector.shape_cast %get3A_313 : vector<1x16xf32> to vector<16xf32>
      %get3A_315 = arith.constant 2 : i32
      %get3A_316 = arith.index_cast %get3A_315 : i32 to index
      %get3A_317 = arith.index_cast %mul3A_304 : i32 to index
      %get3A_318 = tpu.vector_load %arg6[%get3A_316, %get3A_317] {strides = array<i32>} : memref<3x1024xf32, #tpu.memory_space<vmem>>, vector<1x16xf32>,
      %get3A_319 = vector.shape_cast %get3A_318 : vector<1x16xf32> to vector<16xf32>
      %get3A_320 = arith.constant 0 : i32
      %get3A_321 = arith.index_cast %get3A_320 : i32 to index
      %get3A_322 = arith.index_cast %mul3A_304 : i32 to index
      %get3A_323 = tpu.vector_load %arg7[%get3A_321, %get3A_322] {strides = array<i32>} : memref<3x1024xf32, #tpu.memory_space<vmem>>, vector<1x16xf32>,
      %get3A_324 = vector.shape_cast %get3A_323 : vector<1x16xf32> to vector<16xf32>
      %get3A_325 = arith.constant 1 : i32
      %get3A_326 = arith.index_cast %get3A_325 : i32 to index
      %get3A_327 = arith.index_cast %mul3A_304 : i32 to index
      %get3A_328 = tpu.vector_load %arg7[%get3A_326, %get3A_327] {strides = array<i32>} : memref<3x1024xf32, #tpu.memory_space<vmem>>, vector<1x16xf32>,
      %get3A_329 = vector.shape_cast %get3A_328 : vector<1x16xf32> to vector<16xf32>
      %get3A_330 = arith.constant 2 : i32
      %get3A_331 = arith.index_cast %get3A_330 : i32 to index
      %get3A_332 = arith.index_cast %mul3A_304 : i32 to index
      %get3A_333 = tpu.vector_load %arg7[%get3A_331, %get3A_332] {strides = array<i32>} : memref<3x1024xf32, #tpu.memory_space<vmem>>, vector<1x16xf32>,
      %get3A_334 = vector.shape_cast %get3A_333 : vector<1x16xf32> to vector<16xf32>
      %sub3A_335 = arith.subf %broadcast_in_dim3A, %get3A_309 : vector<16xf32>
      %sub3A_336 = arith.subf %broadcast_in_dim3A_179, %get3A_314 : vector<16xf32>
      %sub3A_337 = arith.subf %broadcast_in_dim3A_203, %get3A_319 : vector<16xf32>
      %mul3A_338 = arith.mulf %get3A_324, %sub3A_335 : vector<16xf32>
      %mul3A_339 = arith.mulf %get3A_329, %sub3A_336 : vector<16xf32>
      %add3A_340 = arith.addf %mul3A_338, %mul3A_339 : vector<16xf32>
      %mul3A_341 = arith.mulf %get3A_334, %sub3A_337 : vector<16xf32>
      %add3A_342 = arith.addf %add3A_340, %mul3A_341 : vector<16xf32>
      %mul3A_343 = arith.mulf %sub3A_335, %sub3A_335 : vector<16xf32>
      %mul3A_344 = arith.mulf %sub3A_336, %sub3A_336 : vector<16xf32>
      %add3A_345 = arith.addf %mul3A_343, %mul3A_344 : vector<16xf32>
      %mul3A_346 = arith.mulf %sub3A_337, %sub3A_337 : vector<16xf32>
      %add3A_347 = arith.addf %add3A_345, %mul3A_346 : vector<16xf32>
      %max3A = arith.constant 1.000000e-30 : f32
      %max3A_348 = vector.broadcast %max3A : f32 to vector<16xf32>
      %max3A_349 = arith.maximumf %add3A_347, %max3A_348 : vector<16xf32>
      %bitcast_convert_type3A = tpu.bitcast %max3A_349 : vector<16xf32> -> vector<16xi32>
      %shift_right_arithmetic3A = arith.constant 1 : i32
      %shift_right_arithmetic3A_350 = vector.broadcast %shift_right_arithmetic3A : i32 to vector<16xi32>
      %shift_right_arithmetic3A_351 = arith.shrsi %bitcast_convert_type3A, %shift_right_arithmetic3A_350 : vector<16xi32>
      %sub3A_352 = arith.constant 1597463007 : i32
      %sub3A_353 = vector.broadcast %sub3A_352 : i32 to vector<16xi32>
      %sub3A_354 = arith.subi %sub3A_353, %shift_right_arithmetic3A_351 : vector<16xi32>
      %bitcast_convert_type3A_355 = tpu.bitcast %sub3A_354 : vector<16xi32> -> vector<16xf32>
      %mul3A_356 = arith.constant 5.000000e-01 : f32
      %mul3A_357 = vector.broadcast %mul3A_356 : f32 to vector<16xf32>
      %mul3A_358 = arith.mulf %mul3A_357, %max3A_349 : vector<16xf32>
      %mul3A_359 = arith.mulf %mul3A_358, %bitcast_convert_type3A_355 : vector<16xf32>
      %mul3A_360 = arith.mulf %mul3A_359, %bitcast_convert_type3A_355 : vector<16xf32>
      %sub3A_361 = arith.constant 1.500000e+00 : f32
      %sub3A_362 = vector.broadcast %sub3A_361 : f32 to vector<16xf32>
      %sub3A_363 = arith.subf %sub3A_362, %mul3A_360 : vector<16xf32>
      %mul3A_364 = arith.mulf %bitcast_convert_type3A_355, %sub3A_363 : vector<16xf32>
      %mul3A_365 = arith.mulf %mul3A_358, %mul3A_364 : vector<16xf32>
      %mul3A_366 = arith.mulf %mul3A_365, %mul3A_364 : vector<16xf32>
      %sub3A_367 = arith.constant 1.500000e+00 : f32
      %sub3A_368 = vector.broadcast %sub3A_367 : f32 to vector<16xf32>
      %sub3A_369 = arith.subf %sub3A_368, %mul3A_366 : vector<16xf32>
      %mul3A_370 = arith.mulf %mul3A_364, %sub3A_369 : vector<16xf32>
      %mul3A_371 = arith.mulf %mul3A_358, %mul3A_370 : vector<16xf32>
      %mul3A_372 = arith.mulf %mul3A_371, %mul3A_370 : vector<16xf32>
      %sub3A_373 = arith.constant 1.500000e+00 : f32
      %sub3A_374 = vector.broadcast %sub3A_373 : f32 to vector<16xf32>
      %sub3A_375 = arith.subf %sub3A_374, %mul3A_372 : vector<16xf32>
      %mul3A_376 = arith.mulf %mul3A_370, %sub3A_375 : vector<16xf32>
      %mul3A_377 = arith.mulf %add3A_342, %mul3A_376 : vector<16xf32>
      %add3A_378 = arith.addf %scan3A_295, %mul3A_377 : vector<16xf32>
      %sub3A_379 = arith.subf %broadcast_in_dim3A_158, %get3A_309 : vector<16xf32>
      %sub3A_380 = arith.subf %broadcast_in_dim3A_182, %get3A_314 : vector<16xf32>
      %sub3A_381 = arith.subf %broadcast_in_dim3A_206, %get3A_319 : vector<16xf32>
      %mul3A_382 = arith.mulf %get3A_324, %sub3A_379 : vector<16xf32>
      %mul3A_383 = arith.mulf %get3A_329, %sub3A_380 : vector<16xf32>
      %add3A_384 = arith.addf %mul3A_382, %mul3A_383 : vector<16xf32>
      %mul3A_385 = arith.mulf %get3A_334, %sub3A_381 : vector<16xf32>
      %add3A_386 = arith.addf %add3A_384, %mul3A_385 : vector<16xf32>
      %mul3A_387 = arith.mulf %sub3A_379, %sub3A_379 : vector<16xf32>
      %mul3A_388 = arith.mulf %sub3A_380, %sub3A_380 : vector<16xf32>
      %add3A_389 = arith.addf %mul3A_387, %mul3A_388 : vector<16xf32>
      %mul3A_390 = arith.mulf %sub3A_381, %sub3A_381 : vector<16xf32>
      %add3A_391 = arith.addf %add3A_389, %mul3A_390 : vector<16xf32>
      %max3A_392 = arith.constant 1.000000e-30 : f32
      %max3A_393 = vector.broadcast %max3A_392 : f32 to vector<16xf32>
      %max3A_394 = arith.maximumf %add3A_391, %max3A_393 : vector<16xf32>
      %bitcast_convert_type3A_395 = tpu.bitcast %max3A_394 : vector<16xf32> -> vector<16xi32>
      %shift_right_arithmetic3A_396 = arith.constant 1 : i32
      %shift_right_arithmetic3A_397 = vector.broadcast %shift_right_arithmetic3A_396 : i32 to vector<16xi32>
      %shift_right_arithmetic3A_398 = arith.shrsi %bitcast_convert_type3A_395, %shift_right_arithmetic3A_397 : vector<16xi32>
      %sub3A_399 = arith.constant 1597463007 : i32
      %sub3A_400 = vector.broadcast %sub3A_399 : i32 to vector<16xi32>
      %sub3A_401 = arith.subi %sub3A_400, %shift_right_arithmetic3A_398 : vector<16xi32>
      %bitcast_convert_type3A_402 = tpu.bitcast %sub3A_401 : vector<16xi32> -> vector<16xf32>
      %mul3A_403 = arith.constant 5.000000e-01 : f32
      %mul3A_404 = vector.broadcast %mul3A_403 : f32 to vector<16xf32>
      %mul3A_405 = arith.mulf %mul3A_404, %max3A_394 : vector<16xf32>
      %mul3A_406 = arith.mulf %mul3A_405, %bitcast_convert_type3A_402 : vector<16xf32>
      %mul3A_407 = arith.mulf %mul3A_406, %bitcast_convert_type3A_402 : vector<16xf32>
      %sub3A_408 = arith.constant 1.500000e+00 : f32
      %sub3A_409 = vector.broadcast %sub3A_408 : f32 to vector<16xf32>
      %sub3A_410 = arith.subf %sub3A_409, %mul3A_407 : vector<16xf32>
      %mul3A_411 = arith.mulf %bitcast_convert_type3A_402, %sub3A_410 : vector<16xf32>
      %mul3A_412 = arith.mulf %mul3A_405, %mul3A_411 : vector<16xf32>
      %mul3A_413 = arith.mulf %mul3A_412, %mul3A_411 : vector<16xf32>
      %sub3A_414 = arith.constant 1.500000e+00 : f32
      %sub3A_415 = vector.broadcast %sub3A_414 : f32 to vector<16xf32>
      %sub3A_416 = arith.subf %sub3A_415, %mul3A_413 : vector<16xf32>
      %mul3A_417 = arith.mulf %mul3A_411, %sub3A_416 : vector<16xf32>
      %mul3A_418 = arith.mulf %mul3A_405, %mul3A_417 : vector<16xf32>
      %mul3A_419 = arith.mulf %mul3A_418, %mul3A_417 : vector<16xf32>
      %sub3A_420 = arith.constant 1.500000e+00 : f32
      %sub3A_421 = vector.broadcast %sub3A_420 : f32 to vector<16xf32>
      %sub3A_422 = arith.subf %sub3A_421, %mul3A_419 : vector<16xf32>
      %mul3A_423 = arith.mulf %mul3A_417, %sub3A_422 : vector<16xf32>
      %mul3A_424 = arith.mulf %add3A_386, %mul3A_423 : vector<16xf32>
      %add3A_425 = arith.addf %scan3A_296, %mul3A_424 : vector<16xf32>
      %sub3A_426 = arith.subf %broadcast_in_dim3A_161, %get3A_309 : vector<16xf32>
      %sub3A_427 = arith.subf %broadcast_in_dim3A_185, %get3A_314 : vector<16xf32>
      %sub3A_428 = arith.subf %broadcast_in_dim3A_209, %get3A_319 : vector<16xf32>
      %mul3A_429 = arith.mulf %get3A_324, %sub3A_426 : vector<16xf32>
      %mul3A_430 = arith.mulf %get3A_329, %sub3A_427 : vector<16xf32>
      %add3A_431 = arith.addf %mul3A_429, %mul3A_430 : vector<16xf32>
      %mul3A_432 = arith.mulf %get3A_334, %sub3A_428 : vector<16xf32>
      %add3A_433 = arith.addf %add3A_431, %mul3A_432 : vector<16xf32>
      %mul3A_434 = arith.mulf %sub3A_426, %sub3A_426 : vector<16xf32>
      %mul3A_435 = arith.mulf %sub3A_427, %sub3A_427 : vector<16xf32>
      %add3A_436 = arith.addf %mul3A_434, %mul3A_435 : vector<16xf32>
      %mul3A_437 = arith.mulf %sub3A_428, %sub3A_428 : vector<16xf32>
      %add3A_438 = arith.addf %add3A_436, %mul3A_437 : vector<16xf32>
      %max3A_439 = arith.constant 1.000000e-30 : f32
      %max3A_440 = vector.broadcast %max3A_439 : f32 to vector<16xf32>
      %max3A_441 = arith.maximumf %add3A_438, %max3A_440 : vector<16xf32>
      %bitcast_convert_type3A_442 = tpu.bitcast %max3A_441 : vector<16xf32> -> vector<16xi32>
      %shift_right_arithmetic3A_443 = arith.constant 1 : i32
      %shift_right_arithmetic3A_444 = vector.broadcast %shift_right_arithmetic3A_443 : i32 to vector<16xi32>
      %shift_right_arithmetic3A_445 = arith.shrsi %bitcast_convert_type3A_442, %shift_right_arithmetic3A_444 : vector<16xi32>
      %sub3A_446 = arith.constant 1597463007 : i32
      %sub3A_447 = vector.broadcast %sub3A_446 : i32 to vector<16xi32>
      %sub3A_448 = arith.subi %sub3A_447, %shift_right_arithmetic3A_445 : vector<16xi32>
      %bitcast_convert_type3A_449 = tpu.bitcast %sub3A_448 : vector<16xi32> -> vector<16xf32>
      %mul3A_450 = arith.constant 5.000000e-01 : f32
      %mul3A_451 = vector.broadcast %mul3A_450 : f32 to vector<16xf32>
      %mul3A_452 = arith.mulf %mul3A_451, %max3A_441 : vector<16xf32>
      %mul3A_453 = arith.mulf %mul3A_452, %bitcast_convert_type3A_449 : vector<16xf32>
      %mul3A_454 = arith.mulf %mul3A_453, %bitcast_convert_type3A_449 : vector<16xf32>
      %sub3A_455 = arith.constant 1.500000e+00 : f32
      %sub3A_456 = vector.broadcast %sub3A_455 : f32 to vector<16xf32>
      %sub3A_457 = arith.subf %sub3A_456, %mul3A_454 : vector<16xf32>
      %mul3A_458 = arith.mulf %bitcast_convert_type3A_449, %sub3A_457 : vector<16xf32>
      %mul3A_459 = arith.mulf %mul3A_452, %mul3A_458 : vector<16xf32>
      %mul3A_460 = arith.mulf %mul3A_459, %mul3A_458 : vector<16xf32>
      %sub3A_461 = arith.constant 1.500000e+00 : f32
      %sub3A_462 = vector.broadcast %sub3A_461 : f32 to vector<16xf32>
      %sub3A_463 = arith.subf %sub3A_462, %mul3A_460 : vector<16xf32>
      %mul3A_464 = arith.mulf %mul3A_458, %sub3A_463 : vector<16xf32>
      %mul3A_465 = arith.mulf %mul3A_452, %mul3A_464 : vector<16xf32>
      %mul3A_466 = arith.mulf %mul3A_465, %mul3A_464 : vector<16xf32>
      %sub3A_467 = arith.constant 1.500000e+00 : f32
      %sub3A_468 = vector.broadcast %sub3A_467 : f32 to vector<16xf32>
      %sub3A_469 = arith.subf %sub3A_468, %mul3A_466 : vector<16xf32>
      %mul3A_470 = arith.mulf %mul3A_464, %sub3A_469 : vector<16xf32>
      %mul3A_471 = arith.mulf %add3A_433, %mul3A_470 : vector<16xf32>
      %add3A_472 = arith.addf %scan3A_297, %mul3A_471 : vector<16xf32>
      %sub3A_473 = arith.subf %broadcast_in_dim3A_164, %get3A_309 : vector<16xf32>
      %sub3A_474 = arith.subf %broadcast_in_dim3A_188, %get3A_314 : vector<16xf32>
      %sub3A_475 = arith.subf %broadcast_in_dim3A_212, %get3A_319 : vector<16xf32>
      %mul3A_476 = arith.mulf %get3A_324, %sub3A_473 : vector<16xf32>
      %mul3A_477 = arith.mulf %get3A_329, %sub3A_474 : vector<16xf32>
      %add3A_478 = arith.addf %mul3A_476, %mul3A_477 : vector<16xf32>
      %mul3A_479 = arith.mulf %get3A_334, %sub3A_475 : vector<16xf32>
      %add3A_480 = arith.addf %add3A_478, %mul3A_479 : vector<16xf32>
      %mul3A_481 = arith.mulf %sub3A_473, %sub3A_473 : vector<16xf32>
      %mul3A_482 = arith.mulf %sub3A_474, %sub3A_474 : vector<16xf32>
      %add3A_483 = arith.addf %mul3A_481, %mul3A_482 : vector<16xf32>
      %mul3A_484 = arith.mulf %sub3A_475, %sub3A_475 : vector<16xf32>
      %add3A_485 = arith.addf %add3A_483, %mul3A_484 : vector<16xf32>
      %max3A_486 = arith.constant 1.000000e-30 : f32
      %max3A_487 = vector.broadcast %max3A_486 : f32 to vector<16xf32>
      %max3A_488 = arith.maximumf %add3A_485, %max3A_487 : vector<16xf32>
      %bitcast_convert_type3A_489 = tpu.bitcast %max3A_488 : vector<16xf32> -> vector<16xi32>
      %shift_right_arithmetic3A_490 = arith.constant 1 : i32
      %shift_right_arithmetic3A_491 = vector.broadcast %shift_right_arithmetic3A_490 : i32 to vector<16xi32>
      %shift_right_arithmetic3A_492 = arith.shrsi %bitcast_convert_type3A_489, %shift_right_arithmetic3A_491 : vector<16xi32>
      %sub3A_493 = arith.constant 1597463007 : i32
      %sub3A_494 = vector.broadcast %sub3A_493 : i32 to vector<16xi32>
      %sub3A_495 = arith.subi %sub3A_494, %shift_right_arithmetic3A_492 : vector<16xi32>
      %bitcast_convert_type3A_496 = tpu.bitcast %sub3A_495 : vector<16xi32> -> vector<16xf32>
      %mul3A_497 = arith.constant 5.000000e-01 : f32
      %mul3A_498 = vector.broadcast %mul3A_497 : f32 to vector<16xf32>
      %mul3A_499 = arith.mulf %mul3A_498, %max3A_488 : vector<16xf32>
      %mul3A_500 = arith.mulf %mul3A_499, %bitcast_convert_type3A_496 : vector<16xf32>
      %mul3A_501 = arith.mulf %mul3A_500, %bitcast_convert_type3A_496 : vector<16xf32>
      %sub3A_502 = arith.constant 1.500000e+00 : f32
      %sub3A_503 = vector.broadcast %sub3A_502 : f32 to vector<16xf32>
      %sub3A_504 = arith.subf %sub3A_503, %mul3A_501 : vector<16xf32>
      %mul3A_505 = arith.mulf %bitcast_convert_type3A_496, %sub3A_504 : vector<16xf32>
      %mul3A_506 = arith.mulf %mul3A_499, %mul3A_505 : vector<16xf32>
      %mul3A_507 = arith.mulf %mul3A_506, %mul3A_505 : vector<16xf32>
      %sub3A_508 = arith.constant 1.500000e+00 : f32
      %sub3A_509 = vector.broadcast %sub3A_508 : f32 to vector<16xf32>
      %sub3A_510 = arith.subf %sub3A_509, %mul3A_507 : vector<16xf32>
      %mul3A_511 = arith.mulf %mul3A_505, %sub3A_510 : vector<16xf32>
      %mul3A_512 = arith.mulf %mul3A_499, %mul3A_511 : vector<16xf32>
      %mul3A_513 = arith.mulf %mul3A_512, %mul3A_511 : vector<16xf32>
      %sub3A_514 = arith.constant 1.500000e+00 : f32
      %sub3A_515 = vector.broadcast %sub3A_514 : f32 to vector<16xf32>
      %sub3A_516 = arith.subf %sub3A_515, %mul3A_513 : vector<16xf32>
      %mul3A_517 = arith.mulf %mul3A_511, %sub3A_516 : vector<16xf32>
      %mul3A_518 = arith.mulf %add3A_480, %mul3A_517 : vector<16xf32>
      %add3A_519 = arith.addf %scan3A_298, %mul3A_518 : vector<16xf32>
      %sub3A_520 = arith.subf %broadcast_in_dim3A_167, %get3A_309 : vector<16xf32>
      %sub3A_521 = arith.subf %broadcast_in_dim3A_191, %get3A_314 : vector<16xf32>
      %sub3A_522 = arith.subf %broadcast_in_dim3A_215, %get3A_319 : vector<16xf32>
      %mul3A_523 = arith.mulf %get3A_324, %sub3A_520 : vector<16xf32>
      %mul3A_524 = arith.mulf %get3A_329, %sub3A_521 : vector<16xf32>
      %add3A_525 = arith.addf %mul3A_523, %mul3A_524 : vector<16xf32>
      %mul3A_526 = arith.mulf %get3A_334, %sub3A_522 : vector<16xf32>
      %add3A_527 = arith.addf %add3A_525, %mul3A_526 : vector<16xf32>
      %mul3A_528 = arith.mulf %sub3A_520, %sub3A_520 : vector<16xf32>
      %mul3A_529 = arith.mulf %sub3A_521, %sub3A_521 : vector<16xf32>
      %add3A_530 = arith.addf %mul3A_528, %mul3A_529 : vector<16xf32>
      %mul3A_531 = arith.mulf %sub3A_522, %sub3A_522 : vector<16xf32>
      %add3A_532 = arith.addf %add3A_530, %mul3A_531 : vector<16xf32>
      %max3A_533 = arith.constant 1.000000e-30 : f32
      %max3A_534 = vector.broadcast %max3A_533 : f32 to vector<16xf32>
      %max3A_535 = arith.maximumf %add3A_532, %max3A_534 : vector<16xf32>
      %bitcast_convert_type3A_536 = tpu.bitcast %max3A_535 : vector<16xf32> -> vector<16xi32>
      %shift_right_arithmetic3A_537 = arith.constant 1 : i32
      %shift_right_arithmetic3A_538 = vector.broadcast %shift_right_arithmetic3A_537 : i32 to vector<16xi32>
      %shift_right_arithmetic3A_539 = arith.shrsi %bitcast_convert_type3A_536, %shift_right_arithmetic3A_538 : vector<16xi32>
      %sub3A_540 = arith.constant 1597463007 : i32
      %sub3A_541 = vector.broadcast %sub3A_540 : i32 to vector<16xi32>
      %sub3A_542 = arith.subi %sub3A_541, %shift_right_arithmetic3A_539 : vector<16xi32>
      %bitcast_convert_type3A_543 = tpu.bitcast %sub3A_542 : vector<16xi32> -> vector<16xf32>
      %mul3A_544 = arith.constant 5.000000e-01 : f32
      %mul3A_545 = vector.broadcast %mul3A_544 : f32 to vector<16xf32>
      %mul3A_546 = arith.mulf %mul3A_545, %max3A_535 : vector<16xf32>
      %mul3A_547 = arith.mulf %mul3A_546, %bitcast_convert_type3A_543 : vector<16xf32>
      %mul3A_548 = arith.mulf %mul3A_547, %bitcast_convert_type3A_543 : vector<16xf32>
      %sub3A_549 = arith.constant 1.500000e+00 : f32
      %sub3A_550 = vector.broadcast %sub3A_549 : f32 to vector<16xf32>
      %sub3A_551 = arith.subf %sub3A_550, %mul3A_548 : vector<16xf32>
      %mul3A_552 = arith.mulf %bitcast_convert_type3A_543, %sub3A_551 : vector<16xf32>
      %mul3A_553 = arith.mulf %mul3A_546, %mul3A_552 : vector<16xf32>
      %mul3A_554 = arith.mulf %mul3A_553, %mul3A_552 : vector<16xf32>
      %sub3A_555 = arith.constant 1.500000e+00 : f32
      %sub3A_556 = vector.broadcast %sub3A_555 : f32 to vector<16xf32>
      %sub3A_557 = arith.subf %sub3A_556, %mul3A_554 : vector<16xf32>
      %mul3A_558 = arith.mulf %mul3A_552, %sub3A_557 : vector<16xf32>
      %mul3A_559 = arith.mulf %mul3A_546, %mul3A_558 : vector<16xf32>
      %mul3A_560 = arith.mulf %mul3A_559, %mul3A_558 : vector<16xf32>
      %sub3A_561 = arith.constant 1.500000e+00 : f32
      %sub3A_562 = vector.broadcast %sub3A_561 : f32 to vector<16xf32>
      %sub3A_563 = arith.subf %sub3A_562, %mul3A_560 : vector<16xf32>
      %mul3A_564 = arith.mulf %mul3A_558, %sub3A_563 : vector<16xf32>
      %mul3A_565 = arith.mulf %add3A_527, %mul3A_564 : vector<16xf32>
      %add3A_566 = arith.addf %scan3A_299, %mul3A_565 : vector<16xf32>
      %sub3A_567 = arith.subf %broadcast_in_dim3A_170, %get3A_309 : vector<16xf32>
      %sub3A_568 = arith.subf %broadcast_in_dim3A_194, %get3A_314 : vector<16xf32>
      %sub3A_569 = arith.subf %broadcast_in_dim3A_218, %get3A_319 : vector<16xf32>
      %mul3A_570 = arith.mulf %get3A_324, %sub3A_567 : vector<16xf32>
      %mul3A_571 = arith.mulf %get3A_329, %sub3A_568 : vector<16xf32>
      %add3A_572 = arith.addf %mul3A_570, %mul3A_571 : vector<16xf32>
      %mul3A_573 = arith.mulf %get3A_334, %sub3A_569 : vector<16xf32>
      %add3A_574 = arith.addf %add3A_572, %mul3A_573 : vector<16xf32>
      %mul3A_575 = arith.mulf %sub3A_567, %sub3A_567 : vector<16xf32>
      %mul3A_576 = arith.mulf %sub3A_568, %sub3A_568 : vector<16xf32>
      %add3A_577 = arith.addf %mul3A_575, %mul3A_576 : vector<16xf32>
      %mul3A_578 = arith.mulf %sub3A_569, %sub3A_569 : vector<16xf32>
      %add3A_579 = arith.addf %add3A_577, %mul3A_578 : vector<16xf32>
      %max3A_580 = arith.constant 1.000000e-30 : f32
      %max3A_581 = vector.broadcast %max3A_580 : f32 to vector<16xf32>
      %max3A_582 = arith.maximumf %add3A_579, %max3A_581 : vector<16xf32>
      %bitcast_convert_type3A_583 = tpu.bitcast %max3A_582 : vector<16xf32> -> vector<16xi32>
      %shift_right_arithmetic3A_584 = arith.constant 1 : i32
      %shift_right_arithmetic3A_585 = vector.broadcast %shift_right_arithmetic3A_584 : i32 to vector<16xi32>
      %shift_right_arithmetic3A_586 = arith.shrsi %bitcast_convert_type3A_583, %shift_right_arithmetic3A_585 : vector<16xi32>
      %sub3A_587 = arith.constant 1597463007 : i32
      %sub3A_588 = vector.broadcast %sub3A_587 : i32 to vector<16xi32>
      %sub3A_589 = arith.subi %sub3A_588, %shift_right_arithmetic3A_586 : vector<16xi32>
      %bitcast_convert_type3A_590 = tpu.bitcast %sub3A_589 : vector<16xi32> -> vector<16xf32>
      %mul3A_591 = arith.constant 5.000000e-01 : f32
      %mul3A_592 = vector.broadcast %mul3A_591 : f32 to vector<16xf32>
      %mul3A_593 = arith.mulf %mul3A_592, %max3A_582 : vector<16xf32>
      %mul3A_594 = arith.mulf %mul3A_593, %bitcast_convert_type3A_590 : vector<16xf32>
      %mul3A_595 = arith.mulf %mul3A_594, %bitcast_convert_type3A_590 : vector<16xf32>
      %sub3A_596 = arith.constant 1.500000e+00 : f32
      %sub3A_597 = vector.broadcast %sub3A_596 : f32 to vector<16xf32>
      %sub3A_598 = arith.subf %sub3A_597, %mul3A_595 : vector<16xf32>
      %mul3A_599 = arith.mulf %bitcast_convert_type3A_590, %sub3A_598 : vector<16xf32>
      %mul3A_600 = arith.mulf %mul3A_593, %mul3A_599 : vector<16xf32>
      %mul3A_601 = arith.mulf %mul3A_600, %mul3A_599 : vector<16xf32>
      %sub3A_602 = arith.constant 1.500000e+00 : f32
      %sub3A_603 = vector.broadcast %sub3A_602 : f32 to vector<16xf32>
      %sub3A_604 = arith.subf %sub3A_603, %mul3A_601 : vector<16xf32>
      %mul3A_605 = arith.mulf %mul3A_599, %sub3A_604 : vector<16xf32>
      %mul3A_606 = arith.mulf %mul3A_593, %mul3A_605 : vector<16xf32>
      %mul3A_607 = arith.mulf %mul3A_606, %mul3A_605 : vector<16xf32>
      %sub3A_608 = arith.constant 1.500000e+00 : f32
      %sub3A_609 = vector.broadcast %sub3A_608 : f32 to vector<16xf32>
      %sub3A_610 = arith.subf %sub3A_609, %mul3A_607 : vector<16xf32>
      %mul3A_611 = arith.mulf %mul3A_605, %sub3A_610 : vector<16xf32>
      %mul3A_612 = arith.mulf %add3A_574, %mul3A_611 : vector<16xf32>
      %add3A_613 = arith.addf %scan3A_300, %mul3A_612 : vector<16xf32>
      %sub3A_614 = arith.subf %broadcast_in_dim3A_173, %get3A_309 : vector<16xf32>
      %sub3A_615 = arith.subf %broadcast_in_dim3A_197, %get3A_314 : vector<16xf32>
      %sub3A_616 = arith.subf %broadcast_in_dim3A_221, %get3A_319 : vector<16xf32>
      %mul3A_617 = arith.mulf %get3A_324, %sub3A_614 : vector<16xf32>
      %mul3A_618 = arith.mulf %get3A_329, %sub3A_615 : vector<16xf32>
      %add3A_619 = arith.addf %mul3A_617, %mul3A_618 : vector<16xf32>
      %mul3A_620 = arith.mulf %get3A_334, %sub3A_616 : vector<16xf32>
      %add3A_621 = arith.addf %add3A_619, %mul3A_620 : vector<16xf32>
      %mul3A_622 = arith.mulf %sub3A_614, %sub3A_614 : vector<16xf32>
      %mul3A_623 = arith.mulf %sub3A_615, %sub3A_615 : vector<16xf32>
      %add3A_624 = arith.addf %mul3A_622, %mul3A_623 : vector<16xf32>
      %mul3A_625 = arith.mulf %sub3A_616, %sub3A_616 : vector<16xf32>
      %add3A_626 = arith.addf %add3A_624, %mul3A_625 : vector<16xf32>
      %max3A_627 = arith.constant 1.000000e-30 : f32
      %max3A_628 = vector.broadcast %max3A_627 : f32 to vector<16xf32>
      %max3A_629 = arith.maximumf %add3A_626, %max3A_628 : vector<16xf32>
      %bitcast_convert_type3A_630 = tpu.bitcast %max3A_629 : vector<16xf32> -> vector<16xi32>
      %shift_right_arithmetic3A_631 = arith.constant 1 : i32
      %shift_right_arithmetic3A_632 = vector.broadcast %shift_right_arithmetic3A_631 : i32 to vector<16xi32>
      %shift_right_arithmetic3A_633 = arith.shrsi %bitcast_convert_type3A_630, %shift_right_arithmetic3A_632 : vector<16xi32>
      %sub3A_634 = arith.constant 1597463007 : i32
      %sub3A_635 = vector.broadcast %sub3A_634 : i32 to vector<16xi32>
      %sub3A_636 = arith.subi %sub3A_635, %shift_right_arithmetic3A_633 : vector<16xi32>
      %bitcast_convert_type3A_637 = tpu.bitcast %sub3A_636 : vector<16xi32> -> vector<16xf32>
      %mul3A_638 = arith.constant 5.000000e-01 : f32
      %mul3A_639 = vector.broadcast %mul3A_638 : f32 to vector<16xf32>
      %mul3A_640 = arith.mulf %mul3A_639, %max3A_629 : vector<16xf32>
      %mul3A_641 = arith.mulf %mul3A_640, %bitcast_convert_type3A_637 : vector<16xf32>
      %mul3A_642 = arith.mulf %mul3A_641, %bitcast_convert_type3A_637 : vector<16xf32>
      %sub3A_643 = arith.constant 1.500000e+00 : f32
      %sub3A_644 = vector.broadcast %sub3A_643 : f32 to vector<16xf32>
      %sub3A_645 = arith.subf %sub3A_644, %mul3A_642 : vector<16xf32>
      %mul3A_646 = arith.mulf %bitcast_convert_type3A_637, %sub3A_645 : vector<16xf32>
      %mul3A_647 = arith.mulf %mul3A_640, %mul3A_646 : vector<16xf32>
      %mul3A_648 = arith.mulf %mul3A_647, %mul3A_646 : vector<16xf32>
      %sub3A_649 = arith.constant 1.500000e+00 : f32
      %sub3A_650 = vector.broadcast %sub3A_649 : f32 to vector<16xf32>
      %sub3A_651 = arith.subf %sub3A_650, %mul3A_648 : vector<16xf32>
      %mul3A_652 = arith.mulf %mul3A_646, %sub3A_651 : vector<16xf32>
      %mul3A_653 = arith.mulf %mul3A_640, %mul3A_652 : vector<16xf32>
      %mul3A_654 = arith.mulf %mul3A_653, %mul3A_652 : vector<16xf32>
      %sub3A_655 = arith.constant 1.500000e+00 : f32
      %sub3A_656 = vector.broadcast %sub3A_655 : f32 to vector<16xf32>
      %sub3A_657 = arith.subf %sub3A_656, %mul3A_654 : vector<16xf32>
      %mul3A_658 = arith.mulf %mul3A_652, %sub3A_657 : vector<16xf32>
      %mul3A_659 = arith.mulf %add3A_621, %mul3A_658 : vector<16xf32>
      %add3A_660 = arith.addf %scan3A_301, %mul3A_659 : vector<16xf32>
      %sub3A_661 = arith.subf %broadcast_in_dim3A_176, %get3A_309 : vector<16xf32>
      %sub3A_662 = arith.subf %broadcast_in_dim3A_200, %get3A_314 : vector<16xf32>
      %sub3A_663 = arith.subf %broadcast_in_dim3A_224, %get3A_319 : vector<16xf32>
      %mul3A_664 = arith.mulf %get3A_324, %sub3A_661 : vector<16xf32>
      %mul3A_665 = arith.mulf %get3A_329, %sub3A_662 : vector<16xf32>
      %add3A_666 = arith.addf %mul3A_664, %mul3A_665 : vector<16xf32>
      %mul3A_667 = arith.mulf %get3A_334, %sub3A_663 : vector<16xf32>
      %add3A_668 = arith.addf %add3A_666, %mul3A_667 : vector<16xf32>
      %mul3A_669 = arith.mulf %sub3A_661, %sub3A_661 : vector<16xf32>
      %mul3A_670 = arith.mulf %sub3A_662, %sub3A_662 : vector<16xf32>
      %add3A_671 = arith.addf %mul3A_669, %mul3A_670 : vector<16xf32>
      %mul3A_672 = arith.mulf %sub3A_663, %sub3A_663 : vector<16xf32>
      %add3A_673 = arith.addf %add3A_671, %mul3A_672 : vector<16xf32>
      %max3A_674 = arith.constant 1.000000e-30 : f32
      %max3A_675 = vector.broadcast %max3A_674 : f32 to vector<16xf32>
      %max3A_676 = arith.maximumf %add3A_673, %max3A_675 : vector<16xf32>
      %bitcast_convert_type3A_677 = tpu.bitcast %max3A_676 : vector<16xf32> -> vector<16xi32>
      %shift_right_arithmetic3A_678 = arith.constant 1 : i32
      %shift_right_arithmetic3A_679 = vector.broadcast %shift_right_arithmetic3A_678 : i32 to vector<16xi32>
      %shift_right_arithmetic3A_680 = arith.shrsi %bitcast_convert_type3A_677, %shift_right_arithmetic3A_679 : vector<16xi32>
      %sub3A_681 = arith.constant 1597463007 : i32
      %sub3A_682 = vector.broadcast %sub3A_681 : i32 to vector<16xi32>
      %sub3A_683 = arith.subi %sub3A_682, %shift_right_arithmetic3A_680 : vector<16xi32>
      %bitcast_convert_type3A_684 = tpu.bitcast %sub3A_683 : vector<16xi32> -> vector<16xf32>
      %mul3A_685 = arith.constant 5.000000e-01 : f32
      %mul3A_686 = vector.broadcast %mul3A_685 : f32 to vector<16xf32>
      %mul3A_687 = arith.mulf %mul3A_686, %max3A_676 : vector<16xf32>
      %mul3A_688 = arith.mulf %mul3A_687, %bitcast_convert_type3A_684 : vector<16xf32>
      %mul3A_689 = arith.mulf %mul3A_688, %bitcast_convert_type3A_684 : vector<16xf32>
      %sub3A_690 = arith.constant 1.500000e+00 : f32
      %sub3A_691 = vector.broadcast %sub3A_690 : f32 to vector<16xf32>
      %sub3A_692 = arith.subf %sub3A_691, %mul3A_689 : vector<16xf32>
      %mul3A_693 = arith.mulf %bitcast_convert_type3A_684, %sub3A_692 : vector<16xf32>
      %mul3A_694 = arith.mulf %mul3A_687, %mul3A_693 : vector<16xf32>
      %mul3A_695 = arith.mulf %mul3A_694, %mul3A_693 : vector<16xf32>
      %sub3A_696 = arith.constant 1.500000e+00 : f32
      %sub3A_697 = vector.broadcast %sub3A_696 : f32 to vector<16xf32>
      %sub3A_698 = arith.subf %sub3A_697, %mul3A_695 : vector<16xf32>
      %mul3A_699 = arith.mulf %mul3A_693, %sub3A_698 : vector<16xf32>
      %mul3A_700 = arith.mulf %mul3A_687, %mul3A_699 : vector<16xf32>
      %mul3A_701 = arith.mulf %mul3A_700, %mul3A_699 : vector<16xf32>
      %sub3A_702 = arith.constant 1.500000e+00 : f32
      %sub3A_703 = vector.broadcast %sub3A_702 : f32 to vector<16xf32>
      %sub3A_704 = arith.subf %sub3A_703, %mul3A_701 : vector<16xf32>
      %mul3A_705 = arith.mulf %mul3A_699, %sub3A_704 : vector<16xf32>
      %mul3A_706 = arith.mulf %add3A_668, %mul3A_705 : vector<16xf32>
      %add3A_707 = arith.addf %scan3A_302, %mul3A_706 : vector<16xf32>
      scf.yield %add3A_378, %add3A_425, %add3A_472, %add3A_519, %add3A_566, %add3A_613, %add3A_660, %add3A_707 : vector<16xf32>, vector<16xf32>, vector<16xf32>, vector<16xf32>, vector<16xf32>, vector<16xf32>, vector<16xf32>, vector<16xf32>
    }
    %scan3A_246 = arith.constant 64 : i32
    %swap3A = arith.constant 0 : i32
    %swap3A_247 = arith.index_cast %swap3A : i32 to index
    %swap3A_248 = arith.constant 0 : index
    %swap3A_249 = tpu.vector_load %arg9[%swap3A_247, %swap3A_248] {strides = array<i32>} : memref<8x16xf32, #tpu.memory_space<vmem>>, vector<1x16xf32>,
    %swap3A_250 = vector.shape_cast %swap3A_249 : vector<1x16xf32> to vector<16xf32>
    %swap3A_251 = vector.shape_cast %scan3A_245#0 : vector<16xf32> to vector<1x16xf32>
    tpu.vector_store %arg9[%swap3A_247, %swap3A_248], %swap3A_251 {strides = array<i32>} : memref<8x16xf32, #tpu.memory_space<vmem>>, vector<1x16xf32>,
    %swap3A_252 = arith.constant 1 : i32
    %swap3A_253 = arith.index_cast %swap3A_252 : i32 to index
    %swap3A_254 = arith.constant 0 : index
    %swap3A_255 = tpu.vector_load %arg9[%swap3A_253, %swap3A_254] {strides = array<i32>} : memref<8x16xf32, #tpu.memory_space<vmem>>, vector<1x16xf32>,
    %swap3A_256 = vector.shape_cast %swap3A_255 : vector<1x16xf32> to vector<16xf32>
    %swap3A_257 = vector.shape_cast %scan3A_245#1 : vector<16xf32> to vector<1x16xf32>
    tpu.vector_store %arg9[%swap3A_253, %swap3A_254], %swap3A_257 {strides = array<i32>} : memref<8x16xf32, #tpu.memory_space<vmem>>, vector<1x16xf32>,
    %swap3A_258 = arith.constant 2 : i32
    %swap3A_259 = arith.index_cast %swap3A_258 : i32 to index
    %swap3A_260 = arith.constant 0 : index
    %swap3A_261 = tpu.vector_load %arg9[%swap3A_259, %swap3A_260] {strides = array<i32>} : memref<8x16xf32, #tpu.memory_space<vmem>>, vector<1x16xf32>,
    %swap3A_262 = vector.shape_cast %swap3A_261 : vector<1x16xf32> to vector<16xf32>
    %swap3A_263 = vector.shape_cast %scan3A_245#2 : vector<16xf32> to vector<1x16xf32>
    tpu.vector_store %arg9[%swap3A_259, %swap3A_260], %swap3A_263 {strides = array<i32>} : memref<8x16xf32, #tpu.memory_space<vmem>>, vector<1x16xf32>,
    %swap3A_264 = arith.constant 3 : i32
    %swap3A_265 = arith.index_cast %swap3A_264 : i32 to index
    %swap3A_266 = arith.constant 0 : index
    %swap3A_267 = tpu.vector_load %arg9[%swap3A_265, %swap3A_266] {strides = array<i32>} : memref<8x16xf32, #tpu.memory_space<vmem>>, vector<1x16xf32>,
    %swap3A_268 = vector.shape_cast %swap3A_267 : vector<1x16xf32> to vector<16xf32>
    %swap3A_269 = vector.shape_cast %scan3A_245#3 : vector<16xf32> to vector<1x16xf32>
    tpu.vector_store %arg9[%swap3A_265, %swap3A_266], %swap3A_269 {strides = array<i32>} : memref<8x16xf32, #tpu.memory_space<vmem>>, vector<1x16xf32>,
    %swap3A_270 = arith.constant 4 : i32
    %swap3A_271 = arith.index_cast %swap3A_270 : i32 to index
    %swap3A_272 = arith.constant 0 : index
    %swap3A_273 = tpu.vector_load %arg9[%swap3A_271, %swap3A_272] {strides = array<i32>} : memref<8x16xf32, #tpu.memory_space<vmem>>, vector<1x16xf32>,
    %swap3A_274 = vector.shape_cast %swap3A_273 : vector<1x16xf32> to vector<16xf32>
    %swap3A_275 = vector.shape_cast %scan3A_245#4 : vector<16xf32> to vector<1x16xf32>
    tpu.vector_store %arg9[%swap3A_271, %swap3A_272], %swap3A_275 {strides = array<i32>} : memref<8x16xf32, #tpu.memory_space<vmem>>, vector<1x16xf32>,
    %swap3A_276 = arith.constant 5 : i32
    %swap3A_277 = arith.index_cast %swap3A_276 : i32 to index
    %swap3A_278 = arith.constant 0 : index
    %swap3A_279 = tpu.vector_load %arg9[%swap3A_277, %swap3A_278] {strides = array<i32>} : memref<8x16xf32, #tpu.memory_space<vmem>>, vector<1x16xf32>,
    %swap3A_280 = vector.shape_cast %swap3A_279 : vector<1x16xf32> to vector<16xf32>
    %swap3A_281 = vector.shape_cast %scan3A_245#5 : vector<16xf32> to vector<1x16xf32>
    tpu.vector_store %arg9[%swap3A_277, %swap3A_278], %swap3A_281 {strides = array<i32>} : memref<8x16xf32, #tpu.memory_space<vmem>>, vector<1x16xf32>,
    %swap3A_282 = arith.constant 6 : i32
    %swap3A_283 = arith.index_cast %swap3A_282 : i32 to index
    %swap3A_284 = arith.constant 0 : index
    %swap3A_285 = tpu.vector_load %arg9[%swap3A_283, %swap3A_284] {strides = array<i32>} : memref<8x16xf32, #tpu.memory_space<vmem>>, vector<1x16xf32>,
    %swap3A_286 = vector.shape_cast %swap3A_285 : vector<1x16xf32> to vector<16xf32>
    %swap3A_287 = vector.shape_cast %scan3A_245#6 : vector<16xf32> to vector<1x16xf32>
    tpu.vector_store %arg9[%swap3A_283, %swap3A_284], %swap3A_287 {strides = array<i32>} : memref<8x16xf32, #tpu.memory_space<vmem>>, vector<1x16xf32>,
    %swap3A_288 = arith.constant 7 : i32
    %swap3A_289 = arith.index_cast %swap3A_288 : i32 to index
    %swap3A_290 = arith.constant 0 : index
    %swap3A_291 = tpu.vector_load %arg9[%swap3A_289, %swap3A_290] {strides = array<i32>} : memref<8x16xf32, #tpu.memory_space<vmem>>, vector<1x16xf32>,
    %swap3A_292 = vector.shape_cast %swap3A_291 : vector<1x16xf32> to vector<16xf32>
    %swap3A_293 = vector.shape_cast %scan3A_245#7 : vector<16xf32> to vector<1x16xf32>
    tpu.vector_store %arg9[%swap3A_289, %swap3A_290], %swap3A_293 {strides = array<i32>} : memref<8x16xf32, #tpu.memory_space<vmem>>, vector<1x16xf32>,
    "tpu.region"() ({
      %run_scoped3A = tpu.sem_alloc : memref<!tpu.dma_semaphore, #tpu.memory_space<semaphore_mem>>
      %dma_start3A_294 = arith.constant 0 : i32
      %dma_start3A_295 = tpu.memref_slice %arg5[%select_n3A, %mul3A_34, %dma_start3A_294] : memref<4x64x16xf32, #tpu.memory_space<hbm>> -> memref<1x8x16xf32, #tpu.memory_space<hbm>>
      %dma_start3A_296 = tpu.memref_squeeze %dma_start3A_295 : memref<1x8x16xf32, #tpu.memory_space<hbm>> -> memref<8x16xf32, #tpu.memory_space<hbm>>
      %dma_start3A_297 = arith.constant 0 : i32
      %dma_start3A_298 = tpu.memref_slice %arg5[%select_n3A, %mul3A_34, %dma_start3A_297] : memref<4x64x16xf32, #tpu.memory_space<hbm>> -> memref<1x8x16xf32, #tpu.memory_space<hbm>>
      %dma_start3A_299 = tpu.memref_squeeze %dma_start3A_298 : memref<1x8x16xf32, #tpu.memory_space<hbm>> -> memref<8x16xf32, #tpu.memory_space<hbm>>
      tpu.enqueue_dma source(%arg9 : memref<8x16xf32, #tpu.memory_space<vmem>>) target(%dma_start3A_299 : memref<8x16xf32, #tpu.memory_space<hbm>>) target_semaphore(%run_scoped3A : memref<!tpu.dma_semaphore, #tpu.memory_space<semaphore_mem>>)
      %dma_wait3A_300 = arith.constant 0 : i32
      %dma_wait3A_301 = tpu.memref_slice %arg5[%select_n3A, %mul3A_34, %dma_wait3A_300] : memref<4x64x16xf32, #tpu.memory_space<hbm>> -> memref<1x8x16xf32, #tpu.memory_space<hbm>>
      %dma_wait3A_302 = tpu.memref_squeeze %dma_wait3A_301 : memref<1x8x16xf32, #tpu.memory_space<hbm>> -> memref<8x16xf32, #tpu.memory_space<hbm>>
      %dma_wait3A_303 = arith.constant 0 : i32
      %dma_wait3A_304 = tpu.memref_slice %arg5[%select_n3A, %mul3A_34, %dma_wait3A_303] : memref<4x64x16xf32, #tpu.memory_space<hbm>> -> memref<1x8x16xf32, #tpu.memory_space<hbm>>
      %dma_wait3A_305 = tpu.memref_squeeze %dma_wait3A_304 : memref<1x8x16xf32, #tpu.memory_space<hbm>> -> memref<8x16xf32, #tpu.memory_space<hbm>>
      tpu.wait_dma2 semaphore(%run_scoped3A : memref<!tpu.dma_semaphore, #tpu.memory_space<semaphore_mem>>) src(%arg9 : memref<8x16xf32, #tpu.memory_space<vmem>>) dst(%dma_wait3A_305 : memref<8x16xf32, #tpu.memory_space<hbm>>)
      tpu.yield
    }) : () -> ()
    return
  }
}

module attributes {stable_mosaic.version = 14 : i64} {
  func.func @_tc_body(%arg0: i32, %arg1: memref<1x3x1024xf32, #tpu.memory_space<vmem>>, %arg2: memref<1x3x1024xf32, #tpu.memory_space<vmem>>, %arg3: memref<1x64x3xf32, #tpu.memory_space<vmem>>, %arg4: memref<1x1x1xf32, #tpu.memory_space<vmem>>, %arg5: memref<1x1x1xi32, #tpu.memory_space<vmem>>) attributes {dimension_semantics = [#tpu.dimension_semantics<arbitrary>], iteration_bounds = array<i64: 12>, scalar_prefetch = 0 : i64, scratch_operands = 0 : i64, tpu.core_type = #tpu.core_type<tc>, window_params = [{transform_indices = @transform_0, window_bounds = array<i64: 1, 3, 1024>}, {transform_indices = @transform_1, window_bounds = array<i64: 1, 3, 1024>}, {transform_indices = @transform_2, window_bounds = array<i64: 1, 64, 3>}, {transform_indices = @transform_3, window_bounds = array<i64: 1, 1, 1>}, {transform_indices = @transform_4, window_bounds = array<i64: 1, 1, 1>}]} {
    %get3A = arith.constant 0 : index
    %get3A_0 = arith.constant 0 : index
    %get3A_1 = arith.constant 0 : index
    %get3A_2 = vector.load %arg1[%get3A, %get3A_0, %get3A_1] : memref<1x3x1024xf32, #tpu.memory_space<vmem>>, vector<1x1x1024xf32>
    %get3A_3 = vector.shape_cast %get3A_2 : vector<1x1x1024xf32> to vector<1x1024xf32>
    %get3A_4 = arith.constant 0 : index
    %get3A_5 = arith.constant 1 : index
    %get3A_6 = arith.constant 0 : index
    %get3A_7 = vector.load %arg1[%get3A_4, %get3A_5, %get3A_6] : memref<1x3x1024xf32, #tpu.memory_space<vmem>>, vector<1x1x1024xf32>
    %get3A_8 = vector.shape_cast %get3A_7 : vector<1x1x1024xf32> to vector<1x1024xf32>
    %get3A_9 = arith.constant 0 : index
    %get3A_10 = arith.constant 2 : index
    %get3A_11 = arith.constant 0 : index
    %get3A_12 = vector.load %arg1[%get3A_9, %get3A_10, %get3A_11] : memref<1x3x1024xf32, #tpu.memory_space<vmem>>, vector<1x1x1024xf32>
    %get3A_13 = vector.shape_cast %get3A_12 : vector<1x1x1024xf32> to vector<1x1024xf32>
    %get3A_14 = arith.constant 0 : index
    %get3A_15 = arith.constant 0 : index
    %get3A_16 = arith.constant 0 : index
    %get3A_17 = vector.load %arg2[%get3A_14, %get3A_15, %get3A_16] : memref<1x3x1024xf32, #tpu.memory_space<vmem>>, vector<1x1x1024xf32>
    %get3A_18 = vector.shape_cast %get3A_17 : vector<1x1x1024xf32> to vector<1x1024xf32>
    %get3A_19 = arith.constant 0 : index
    %get3A_20 = arith.constant 1 : index
    %get3A_21 = arith.constant 0 : index
    %get3A_22 = vector.load %arg2[%get3A_19, %get3A_20, %get3A_21] : memref<1x3x1024xf32, #tpu.memory_space<vmem>>, vector<1x1x1024xf32>
    %get3A_23 = vector.shape_cast %get3A_22 : vector<1x1x1024xf32> to vector<1x1024xf32>
    %get3A_24 = arith.constant 0 : index
    %get3A_25 = arith.constant 2 : index
    %get3A_26 = arith.constant 0 : index
    %get3A_27 = vector.load %arg2[%get3A_24, %get3A_25, %get3A_26] : memref<1x3x1024xf32, #tpu.memory_space<vmem>>, vector<1x1x1024xf32>
    %get3A_28 = vector.shape_cast %get3A_27 : vector<1x1x1024xf32> to vector<1x1024xf32>
    %get3A_29 = arith.constant 0 : index
    %get3A_30 = arith.constant 0 : index
    %get3A_31 = arith.constant 0 : index
    %get3A_32 = vector.load %arg3[%get3A_29, %get3A_30, %get3A_31] : memref<1x64x3xf32, #tpu.memory_space<vmem>>, vector<1x64x1xf32>
    %get3A_33 = vector.shape_cast %get3A_32 : vector<1x64x1xf32> to vector<64x1xf32>
    %get3A_34 = arith.constant 0 : index
    %get3A_35 = arith.constant 0 : index
    %get3A_36 = arith.constant 1 : index
    %get3A_37 = vector.load %arg3[%get3A_34, %get3A_35, %get3A_36] : memref<1x64x3xf32, #tpu.memory_space<vmem>>, vector<1x64x1xf32>
    %get3A_38 = vector.shape_cast %get3A_37 : vector<1x64x1xf32> to vector<64x1xf32>
    %get3A_39 = arith.constant 0 : index
    %get3A_40 = arith.constant 0 : index
    %get3A_41 = arith.constant 2 : index
    %get3A_42 = vector.load %arg3[%get3A_39, %get3A_40, %get3A_41] : memref<1x64x3xf32, #tpu.memory_space<vmem>>, vector<1x64x1xf32>
    %get3A_43 = vector.shape_cast %get3A_42 : vector<1x64x1xf32> to vector<64x1xf32>
    %sub3A = vector.broadcast %get3A_33 : vector<64x1xf32> to vector<64x1024xf32>
    %sub3A_44 = vector.broadcast %get3A_3 : vector<1x1024xf32> to vector<64x1024xf32>
    %sub3A_45 = arith.subf %sub3A, %sub3A_44 : vector<64x1024xf32>
    %sub3A_46 = vector.broadcast %get3A_38 : vector<64x1xf32> to vector<64x1024xf32>
    %sub3A_47 = vector.broadcast %get3A_8 : vector<1x1024xf32> to vector<64x1024xf32>
    %sub3A_48 = arith.subf %sub3A_46, %sub3A_47 : vector<64x1024xf32>
    %sub3A_49 = vector.broadcast %get3A_43 : vector<64x1xf32> to vector<64x1024xf32>
    %sub3A_50 = vector.broadcast %get3A_13 : vector<1x1024xf32> to vector<64x1024xf32>
    %sub3A_51 = arith.subf %sub3A_49, %sub3A_50 : vector<64x1024xf32>
    %mul3A = vector.broadcast %get3A_18 : vector<1x1024xf32> to vector<64x1024xf32>
    %mul3A_52 = arith.mulf %sub3A_45, %mul3A : vector<64x1024xf32>
    %mul3A_53 = vector.broadcast %get3A_23 : vector<1x1024xf32> to vector<64x1024xf32>
    %mul3A_54 = arith.mulf %sub3A_48, %mul3A_53 : vector<64x1024xf32>
    %add3A = arith.addf %mul3A_52, %mul3A_54 : vector<64x1024xf32>
    %mul3A_55 = vector.broadcast %get3A_28 : vector<1x1024xf32> to vector<64x1024xf32>
    %mul3A_56 = arith.mulf %sub3A_51, %mul3A_55 : vector<64x1024xf32>
    %add3A_57 = arith.addf %add3A, %mul3A_56 : vector<64x1024xf32>
    %mul3A_58 = arith.mulf %get3A_18, %get3A_18 : vector<1x1024xf32>
    %mul3A_59 = arith.mulf %get3A_23, %get3A_23 : vector<1x1024xf32>
    %add3A_60 = arith.addf %mul3A_58, %mul3A_59 : vector<1x1024xf32>
    %mul3A_61 = arith.mulf %get3A_28, %get3A_28 : vector<1x1024xf32>
    %add3A_62 = arith.addf %add3A_60, %mul3A_61 : vector<1x1024xf32>
    %mul3A_63 = arith.mulf %sub3A_45, %sub3A_45 : vector<64x1024xf32>
    %mul3A_64 = arith.mulf %sub3A_48, %sub3A_48 : vector<64x1024xf32>
    %add3A_65 = arith.addf %mul3A_63, %mul3A_64 : vector<64x1024xf32>
    %mul3A_66 = arith.mulf %sub3A_51, %sub3A_51 : vector<64x1024xf32>
    %add3A_67 = arith.addf %add3A_65, %mul3A_66 : vector<64x1024xf32>
    %rsqrt3A = math.rsqrt %add3A_62 : vector<1x1024xf32>
    %min3A = arith.constant 1.000000e+08 : f32
    %min3A_68 = vector.broadcast %min3A : f32 to vector<1x1024xf32>
    %min3A_69 = arith.minimumf %rsqrt3A, %min3A_68 : vector<1x1024xf32>
    %rsqrt3A_70 = math.rsqrt %add3A_67 : vector<64x1024xf32>
    %min3A_71 = arith.constant 1.000000e+08 : f32
    %min3A_72 = vector.broadcast %min3A_71 : f32 to vector<64x1024xf32>
    %min3A_73 = arith.minimumf %rsqrt3A_70, %min3A_72 : vector<64x1024xf32>
    %mul3A_74 = vector.broadcast %min3A_69 : vector<1x1024xf32> to vector<64x1024xf32>
    %mul3A_75 = arith.mulf %add3A_57, %mul3A_74 : vector<64x1024xf32>
    %mul3A_76 = arith.mulf %mul3A_75, %min3A_73 : vector<64x1024xf32>
    %reduce_sum3A = arith.constant dense<0.000000e+00> : vector<64xf32>
    %reduce_sum3A_77 = vector.multi_reduction <add>, %mul3A_76, %reduce_sum3A [1] : vector<64x1024xf32> to vector<64xf32>
    %broadcast_in_dim3A = vector.shape_cast %reduce_sum3A_77 : vector<64xf32> to vector<64x1xf32>
    %mul3A_78 = arith.constant 9.765625E-4 : f32
    %mul3A_79 = vector.broadcast %mul3A_78 : f32 to vector<64x1xf32>
    %mul3A_80 = arith.mulf %broadcast_in_dim3A, %mul3A_79 : vector<64x1xf32>
    %sub3A_81 = arith.constant 1.000000e+00 : f32
    %sub3A_82 = vector.broadcast %sub3A_81 : f32 to vector<64x1xf32>
    %sub3A_83 = arith.subf %sub3A_82, %mul3A_80 : vector<64x1xf32>
    %reduce_min3A = arith.constant dense<0x7F800000> : vector<1xf32>
    %reduce_min3A_84 = vector.multi_reduction <minimumf>, %sub3A_83, %reduce_min3A [0] : vector<64x1xf32> to vector<1xf32>
    %broadcast_in_dim3A_85 = vector.shape_cast %reduce_min3A_84 : vector<1xf32> to vector<1x1xf32>
    %iota3A = tpu.iota {dimensions = array<i32: 0>} : vector<64x1xi32>
    %eq3A = vector.broadcast %broadcast_in_dim3A_85 : vector<1x1xf32> to vector<64x1xf32>
    %eq3A_86 = arith.cmpf oeq, %sub3A_83, %eq3A : vector<64x1xf32>
    %jit3A = arith.constant 64 : i32
    %broadcast_in_dim3A_87 = vector.broadcast %jit3A : i32 to vector<64x1xi32>
    %select_n3A = arith.select %eq3A_86, %iota3A, %broadcast_in_dim3A_87 : vector<64x1xi1>, vector<64x1xi32>
    %reduce_min3A_88 = arith.constant dense<2147483647> : vector<1xi32>
    %reduce_min3A_89 = vector.multi_reduction <minsi>, %select_n3A, %reduce_min3A_88 [0] : vector<64x1xi32> to vector<1xi32>
    %broadcast_in_dim3A_90 = vector.shape_cast %reduce_min3A_89 : vector<1xi32> to vector<1x1xi32>
    %swap3A = arith.constant 0 : index
    %swap3A_91 = arith.constant 0 : index
    %swap3A_92 = arith.constant 0 : index
    %swap3A_93 = vector.load %arg4[%swap3A, %swap3A_91, %swap3A_92] : memref<1x1x1xf32, #tpu.memory_space<vmem>>, vector<1x1x1xf32>
    %swap3A_94 = vector.shape_cast %swap3A_93 : vector<1x1x1xf32> to vector<1x1xf32>
    %swap3A_95 = vector.shape_cast %broadcast_in_dim3A_85 : vector<1x1xf32> to vector<1x1x1xf32>
    tpu.vector_store %arg4[%swap3A, %swap3A_91, %swap3A_92], %swap3A_95 {strides = array<i32>} : memref<1x1x1xf32, #tpu.memory_space<vmem>>, vector<1x1x1xf32>,
    %swap3A_96 = arith.constant 0 : index
    %swap3A_97 = arith.constant 0 : index
    %swap3A_98 = arith.constant 0 : index
    %swap3A_99 = vector.load %arg5[%swap3A_96, %swap3A_97, %swap3A_98] : memref<1x1x1xi32, #tpu.memory_space<vmem>>, vector<1x1x1xi32>
    %swap3A_100 = vector.shape_cast %swap3A_99 : vector<1x1x1xi32> to vector<1x1xi32>
    %swap3A_101 = vector.shape_cast %broadcast_in_dim3A_90 : vector<1x1xi32> to vector<1x1x1xi32>
    tpu.vector_store %arg5[%swap3A_96, %swap3A_97, %swap3A_98], %swap3A_101 {strides = array<i32>} : memref<1x1x1xi32, #tpu.memory_space<vmem>>, vector<1x1x1xi32>,
    return
  }
  func.func @transform_0(%arg0: i32) -> (i32, i32, i32) {
    %c0_i32 = arith.constant 0 : i32
    %c0_i32_0 = arith.constant 0 : i32
    %c0_i32_1 = arith.constant 0 : i32
    return %arg0, %c0_i32, %c0_i32_0 : i32, i32, i32
  }
  func.func @transform_1(%arg0: i32) -> (i32, i32, i32) {
    %c0_i32 = arith.constant 0 : i32
    %c0_i32_0 = arith.constant 0 : i32
    %c0_i32_1 = arith.constant 0 : i32
    return %arg0, %c0_i32, %c0_i32_0 : i32, i32, i32
  }
  func.func @transform_2(%arg0: i32) -> (i32, i32, i32) {
    %c0_i32 = arith.constant 0 : i32
    %c0_i32_0 = arith.constant 0 : i32
    %c0_i32_1 = arith.constant 0 : i32
    return %arg0, %c0_i32, %c0_i32_0 : i32, i32, i32
  }
  func.func @transform_3(%arg0: i32) -> (i32, i32, i32) {
    %c0_i32 = arith.constant 0 : i32
    %c0_i32_0 = arith.constant 0 : i32
    %c0_i32_1 = arith.constant 0 : i32
    return %arg0, %c0_i32, %c0_i32_0 : i32, i32, i32
  }
  func.func @transform_4(%arg0: i32) -> (i32, i32, i32) {
    %c0_i32 = arith.constant 0 : i32
    %c0_i32_0 = arith.constant 0 : i32
    %c0_i32_1 = arith.constant 0 : i32
    return %arg0, %c0_i32, %c0_i32_0 : i32, i32, i32
  }
}

module attributes {stable_mosaic.version = 14 : i64} {
  func.func @_tail_body(%arg0: memref<4x64x16xf32, #tpu.memory_space<vmem>>, %arg1: memref<12x1x1xf32, #tpu.memory_space<vmem>>, %arg2: memref<12x1x1xi32, #tpu.memory_space<vmem>>, %arg3: memref<1x1xf32, #tpu.memory_space<vmem>>, %arg4: memref<16x1xi32, #tpu.memory_space<vmem>>) attributes {dimension_semantics = [], scalar_prefetch = 0 : i64, scratch_operands = 0 : i64, tpu.core_type = #tpu.core_type<tc>} {
    %get3A = arith.constant 0 : index
    %get3A_0 = arith.constant 0 : index
    %get3A_1 = arith.constant 0 : index
    %get3A_2 = vector.load %arg0[%get3A, %get3A_0, %get3A_1] : memref<4x64x16xf32, #tpu.memory_space<vmem>>, vector<4x64x16xf32>
    %reduce_sum3A = arith.constant dense<0.000000e+00> : vector<4x64xf32>
    %reduce_sum3A_3 = vector.multi_reduction <add>, %get3A_2, %reduce_sum3A [2] : vector<4x64x16xf32> to vector<4x64xf32>
    %mul3A = arith.constant 9.765625E-4 : f32
    %mul3A_4 = vector.broadcast %mul3A : f32 to vector<4x64xf32>
    %mul3A_5 = arith.mulf %reduce_sum3A_3, %mul3A_4 : vector<4x64xf32>
    %sub3A = arith.constant 1.000000e+00 : f32
    %sub3A_6 = vector.broadcast %sub3A : f32 to vector<4x64xf32>
    %sub3A_7 = arith.subf %sub3A_6, %mul3A_5 : vector<4x64xf32>
    %reduce_min3A = arith.constant dense<0x7F800000> : vector<4xf32>
    %reduce_min3A_8 = vector.multi_reduction <minimumf>, %sub3A_7, %reduce_min3A [1] : vector<4x64xf32> to vector<4xf32>
    %broadcast_in_dim3A = vector.shape_cast %reduce_min3A_8 : vector<4xf32> to vector<4x1xf32>
    %iota3A = tpu.iota {dimensions = array<i32: 1>} : vector<4x64xi32>
    %eq3A = vector.broadcast %broadcast_in_dim3A : vector<4x1xf32> to vector<4x64xf32>
    %eq3A_9 = arith.cmpf oeq, %sub3A_7, %eq3A : vector<4x64xf32>
    %jit3A = arith.constant 64 : i32
    %broadcast_in_dim3A_10 = vector.broadcast %jit3A : i32 to vector<4x64xi32>
    %select_n3A = arith.select %eq3A_9, %iota3A, %broadcast_in_dim3A_10 : vector<4x64xi1>, vector<4x64xi32>
    %reduce_min3A_11 = arith.constant dense<2147483647> : vector<4xi32>
    %reduce_min3A_12 = vector.multi_reduction <minsi>, %select_n3A, %reduce_min3A_11 [1] : vector<4x64xi32> to vector<4xi32>
    %broadcast_in_dim3A_13 = vector.shape_cast %reduce_min3A_12 : vector<4xi32> to vector<4x1xi32>
    %get3A_14 = arith.constant 0 : index
    %get3A_15 = arith.constant 0 : index
    %get3A_16 = arith.constant 0 : index
    %get3A_17 = vector.load %arg1[%get3A_14, %get3A_15, %get3A_16] : memref<12x1x1xf32, #tpu.memory_space<vmem>>, vector<12x1x1xf32>
    %squeeze3A = vector.shape_cast %get3A_17 : vector<12x1x1xf32> to vector<12x1xf32>
    %concatenate3A = tpu.concatenate %squeeze3A, %broadcast_in_dim3A in 0 : vector<12x1xf32>, vector<4x1xf32> -> vector<16x1xf32>
    %get3A_18 = arith.constant 0 : index
    %get3A_19 = arith.constant 0 : index
    %get3A_20 = arith.constant 0 : index
    %get3A_21 = vector.load %arg2[%get3A_18, %get3A_19, %get3A_20] : memref<12x1x1xi32, #tpu.memory_space<vmem>>, vector<12x1x1xi32>
    %squeeze3A_22 = vector.shape_cast %get3A_21 : vector<12x1x1xi32> to vector<12x1xi32>
    %concatenate3A_23 = tpu.concatenate %squeeze3A_22, %broadcast_in_dim3A_13 in 0 : vector<12x1xi32>, vector<4x1xi32> -> vector<16x1xi32>
    %swap3A = arith.constant 0 : index
    %swap3A_24 = arith.constant 0 : index
    %swap3A_25 = vector.load %arg4[%swap3A, %swap3A_24] : memref<16x1xi32, #tpu.memory_space<vmem>>, vector<16x1xi32>
    tpu.vector_store %arg4[%swap3A, %swap3A_24], %concatenate3A_23 {strides = array<i32>} : memref<16x1xi32, #tpu.memory_space<vmem>>, vector<16x1xi32>,
    %reduce_sum3A_26 = arith.constant dense<0.000000e+00> : vector<1xf32>
    %reduce_sum3A_27 = vector.multi_reduction <add>, %concatenate3A, %reduce_sum3A_26 [0] : vector<16x1xf32> to vector<1xf32>
    %broadcast_in_dim3A_28 = vector.shape_cast %reduce_sum3A_27 : vector<1xf32> to vector<1x1xf32>
    %mul3A_29 = arith.constant 6.250000e-02 : f32
    %mul3A_30 = vector.broadcast %mul3A_29 : f32 to vector<1x1xf32>
    %mul3A_31 = arith.mulf %broadcast_in_dim3A_28, %mul3A_30 : vector<1x1xf32>
    %swap3A_32 = arith.constant 0 : index
    %swap3A_33 = arith.constant 0 : index
    %swap3A_34 = vector.load %arg3[%swap3A_32, %swap3A_33] : memref<1x1xf32, #tpu.memory_space<vmem>>, vector<1x1xf32>
    tpu.vector_store %arg3[%swap3A_32, %swap3A_33], %mul3A_31 {strides = array<i32>} : memref<1x1xf32, #tpu.memory_space<vmem>>, vector<1x1xf32>,
    return
  }
}

</mosaic_0001>

<sc_bundles>
// kernel: _run.5.cloned.1.call-start
scs
__scs_entry_jumppad:
0x0: {  	(pc) =	sbr.rel $0x88, $3  }
0x1: {  	(tag) =	ssettag $0x0;
	lr =	simm.s32 $0x1  }
0x2: {  	[smem:$0x3F9D] =	sst lr;
	_ =	strace $0xD0000000  }
0x3: {  	_ = 	snop  }
0x4: {  	_ = 	snop  }
0x5: {  	_ = 	snop  }
0x6: {  	_ = 	snop  }
0x7: {  	_ = 	snop  }
__scs_overlays_trampoline_lowered:
0x8: {  	[smem:$0x3FAC] =	sst s0  }
0x9: {  	[smem:$0x3FAD] =	sst s1  }
0xa: {  	[smem:$0x3FAE] =	sst s2  }
0xb: {  	[smem:$0x3FAF] =	sst s3  }
0xc: {  	[smem:$0x3FB0] =	sst s4  }
0xd: {  	[smem:$0x3FB1] =	sst s5  }
0xe: {  	[smem:$0x3FB2] =	sst s6  }
0xf: {  	[smem:$0x3FB3] =	sst s7  }
0x10: {  	[smem:$0x3FB4] =	sst s8  }
0x11: {  	[smem:$0x3FB5] =	sst s9;
	s0 =	simm.s32 @!p0 $0x0  }
0x12: {  	s1 =	sld [smem:$0x3F9B];
	s0 =	simm.s32 @p0 $0x1  }
0x13: {  	[smem:$0x3FB6] =	sst s0;
	s0 =	simm.s32 @!p1 $0x0  }
0x14: {  	s2 =	sld [smem:$0x3F9A];
	s0 =	simm.s32 @p1 $0x1  }
0x15: {  	[smem:$0x3FB7] =	sst s0;
	s0 =	simm.s32 @!p2 $0x0  }
0x16: {  	s3 =	sld [smem:$0x3FDB];
	s0 =	simm.s32 @p2 $0x1  }
0x17: {  	s4 =	simm.s32 $0x1BF5;
	[smem:$0x3FB9] =	sst s0  }
0x18: {  	s0 =	sld [smem:$0x3F9C];
	_ =	swait.ge [sflag:s4], $0x0  }
0x19: {  	s7 =	sld [smem:$0x3F9D]  }
0x1a: {  	s8 =	sadd.s32 $0xFFFFE003, lr  }
0x1b: {  	s9 =	sadd.s32 $0xFFFFFEF7, lr;
	s5 =	simm.s32 $0xFFFFFFFF;
	p2 =	slt.u32 s8, $0xFFFFF086  }
0x1c: {  	p1 =	slt.u32 s9, $0xF7A;
	s5 =	simm.s32 @!p2 $0x0  }
0x1d: {  	s5 =	simm.s32 @p1 $0x1;
	p0 =	seq.s32 s7, s2  }
0x1e: {  	s7 =	smul.u32 @!p0 $0xF7A, s2;
	p2 =	seq.s32 @!p0 s5, $0x0  }
0x1f: {  	s9 =	smul.u32 $0xF7A, s1;
	s8 =	simm.s32 @!p0 $0x1BF5;
	p2 =	por !p2, p0  }
0x20: {  	[sflag:s8] =	ssyncset.s32 @!p0 $0xFFFFF086;
	s6 =	sadd.s32 @!p0 s3, s7;
	s7 =	simm.s32 @!p0 $0x108  }
0x21: {  	s3 =	sadd.s32 s3, s9;
	s6 =	sadd.s32 @!p0 $0x88, s6;
	s7 =	simm.s32 @p2 $0x1082  }
0x22: {  	[simem:s7], [sflag:s8] =	dma.local @!p0 [hbm:s6], $0xF7A  }
0x23: {  	s9 =	sor.u32 $0xD0000000, s2;
	s6 =	simm.s32 $0x108;
	_ =	swait.ge @!p0 [sflag:s8], $0x0  }
0x24: {  	s3 =	sadd.s32 $0x88, s3;
	s6 =	simm.s32 @!p1 $0x1082;
	[sflag:s4] =	ssyncset.s32 $0xFFFFF086  }
0x25: {  	[simem:s6], [sflag:s4] =	dma.local [hbm:s3], $0xF7A  }
0x26: {  	[smem:$0x3F9D] =	sst s1;
	(tag) =	ssettag s2;
	_ =	strace s9  }
0x27: {  	s1 =	sld [smem:$0x3FAD]  }
0x28: {  	s2 =	sld [smem:$0x3FAE]  }
0x29: {  	s4 =	sld [smem:$0x3FB0]  }
0x2a: {  	p0 =	seq.s32 s5, $0x0;
	s5 =	sld [smem:$0x3FB1]  }
0x2b: {  	s6 =	sld [smem:$0x3FB2]  }
0x2c: {  	s7 =	sld [smem:$0x3FB3]  }
0x2d: {  	s3 =	simm.s32 $0x108;
	s8 =	sld [smem:$0x3FB4]  }
0x2e: {  	s3 =	simm.s32 @!p0 $0x1082;
	s9 =	sld [smem:$0x3FB5]  }
0x2f: {  	lr =	sadd.s32 s0, s3;
	s0 =	sld [smem:$0x3FAC]  }
0x30: {  	s3 =	sld [smem:$0x3FAF]  }
0x31: {  	[smem:$0x3FB8] =	sst s10  }
0x32: {  	s10 =	sld [smem:$0x3FB6];
	_ =	sdelay $0x3  }
0x33: {  	p0 =	seq.s32 s10, $0x1;
	s10 =	sld [smem:$0x3FB8];
	_ =	sdelay $0x3  }
0x34: {  	[smem:$0x3FB8] =	sst s10  }
0x35: {  	s10 =	sld [smem:$0x3FB7];
	_ =	sdelay $0x3  }
0x36: {  	p1 =	seq.s32 s10, $0x1;
	s10 =	sld [smem:$0x3FB8];
	_ =	sdelay $0x3  }
0x37: {  	[smem:$0x3FB8] =	sst s10  }
0x38: {  	s10 =	sld [smem:$0x3FB9]  }
0x39: {  	_ = 	snop;
	(pc) =	sbr.ind lr, $3  }
0x3a: {  	_ = 	snop  }
0x3b: {  	_ = 	snop  }
0x3c: {  	p2 =	seq.s32 s10, $0x1;
	s10 =	sld [smem:$0x3FB8]  }
0x3d: {  	_ =	shalt  }
0x3e: {  	_ =	shalt  }
0x3f: {  	_ =	shalt  }
0x40: {  	_ =	shalt  }
0x41: {  	_ =	shalt  }
0x42: {  	_ =	shalt  }
0x43: {  	_ =	shalt  }
0x44: {  	_ =	shalt  }
0x45: {  	_ =	shalt  }
0x46: {  	_ =	shalt  }
0x47: {  	_ =	shalt  }
0x48: {  	_ =	shalt  }
0x49: {  	_ =	shalt  }
0x4a: {  	_ =	shalt  }
0x4b: {  	_ =	shalt  }
0x4c: {  	_ =	shalt  }
0x4d: {  	_ =	shalt  }
0x4e: {  	_ =	shalt  }
0x4f: {  	_ =	shalt  }
0x50: {  	_ =	shalt  }
0x51: {  	_ =	shalt  }
0x52: {  	_ =	shalt  }
0x53: {  	_ =	shalt  }
0x54: {  	_ =	shalt  }
0x55: {  	_ =	shalt  }
0x56: {  	_ =	shalt  }
0x57: {  	_ =	shalt  }
0x58: {  	_ =	shalt  }
0x59: {  	_ =	shalt  }
0x5a: {  	_ =	shalt  }
0x5b: {  	_ =	shalt  }
0x5c: {  	_ =	shalt  }
0x5d: {  	_ =	shalt  }
0x5e: {  	_ =	shalt  }
0x5f: {  	_ =	shalt  }
0x60: {  	_ =	shalt  }
0x61: {  	_ =	shalt  }
0x62: {  	_ =	shalt  }
0x63: {  	_ =	shalt  }
0x64: {  	_ =	shalt  }
0x65: {  	_ =	shalt  }
0x66: {  	_ =	shalt  }
0x67: {  	_ =	shalt  }
0x68: {  	_ =	shalt  }
0x69: {  	_ =	shalt  }
0x6a: {  	_ =	shalt  }
0x6b: {  	_ =	shalt  }
0x6c: {  	_ =	shalt  }
0x6d: {  	_ =	shalt  }
0x6e: {  	_ =	shalt  }
0x6f: {  	_ =	shalt  }
0x70: {  	_ =	shalt  }
0x71: {  	_ =	shalt  }
0x72: {  	_ =	shalt  }
0x73: {  	_ =	shalt  }
0x74: {  	_ =	shalt  }
0x75: {  	_ =	shalt  }
0x76: {  	_ =	shalt  }
0x77: {  	_ =	shalt  }
0x78: {  	_ =	shalt  }
0x79: {  	_ =	shalt  }
0x7a: {  	_ =	shalt  }
0x7b: {  	_ =	shalt  }
0x7c: {  	_ =	shalt  }
0x7d: {  	_ =	shalt  }
0x7e: {  	_ =	shalt  }
0x7f: {  	_ =	shalt  }
0x80: {  	_ =	shalt  }
0x81: {  	_ =	shalt  }
0x82: {  	_ =	shalt  }
0x83: {  	_ =	shalt  }
0x84: {  	_ =	shalt  }
0x85: {  	_ =	shalt  }
0x86: {  	_ =	shalt  }
0x87: {  	_ =	shalt  }
.Lfunc_end0:
.L_simem_size_0:
called_computation_lowered:
.L_overlay_start_0:
0x88: {  	s2 =	sld [smem:$0x3FD9]  }
0x89: {  	s3 =	sld [smem:$0x3FFE];
	_ =	sdelay $0x1  }
0x8a: {  	s1 =	srdreg.scid  }
0x8b: {  	s0 =	sand.u32 $0x1, s1  }
0x8c: {  	s17 =	sshll.u32 s0, $0xA;
	s2 =	sadd.s32 s3, s2  }
0x8d: {  	s2 =	sadd.s32 s2, s17  }
0x8e: {  	[smem:$0x3FC4] =	sst s2  }
0x8f: {  	_ = 	snop  }
0x90: {  	s2 =	sld [smem:$0x3FC6];
	(tm) =	ssettm $0x1  }
0x91: {  	s18 =	sld [smem:$0x3FFB];
	_ =	sdelay $0x3  }
0x92: {  	_ =	strace s18  }
0x93: {  	s3 =	sld [smem:$0x3FFC];
	_ =	sdelay $0x3  }
0x94: {  	_ =	strace s3  }
0x95: {  	s3 =	sld [smem:$0x3FFD];
	_ =	sdelay $0x3  }
0x96: {  	_ =	strace s3  }
0x97: {  	_ =	strace $0x8FFFFFFF  }
0x98: {  	s19 =	sld [smem:$0x3FDB];
	_ =	sdelay $0x1  }
0x99: {  	s4 =	simm.s32 $_scs_section_size  }
0x9a: {  	s5 =	simm.s32 $_size__tile_overlayer_lowered;
	s6 =	simm.s32 $_tile_overlayer_lowered  }
0x9b: {  	s22 =	simm.s32 $0x1BFF;
	s21 =	sshll.u32 s6, $0x1;
	s3 =	sadd.s32 s4, s19  }
0x9c: {  	s7 =	simm.s32 $0x0;
	s20 =	sshll.u32 s5, $0x1;
	s5 =	sadd.s32 s21, s3  }
0x9d: {  	[timem:s7], [sflag:s22] =	dma.local [hbm:s5], s20  }
0x9e: {  	_ =	swait.ge [sflag:s22], s20  }
0x9f: {  	s4 =	ssub.s32 $0x0, s20;
	[sflag:s22] =	ssyncset.done $0x0  }
0xa0: {  	[sflag:s22] =	ssyncadd.s32 s4;
	_ =	sdelay $0x1  }
0xa1: {  	s23 =	simm.s32 $0x1B8B  }
0xa2: {  	_ =	swait.ge [sflag:s23], $0x1  }
0xa3: {  	[sflag:s23] =	ssyncset.done $0x0  }
0xa4: {  	s25 =	simm.s32 $0x1B8E;
	s24 =	sld [smem:$0x3FFE];
	[sflag:s23] =	ssyncadd.s32 $0xFFFFFFFF  }
0xa5: {  	s26 =	simm.s32 $execute0_lowered;
	[smem:$0x3FD2] =	sst s25  }
0xa6: {  	s5 =	sshll.u32 s26, $0x1;
	_ =	strace $0x80000046;
	[dreg:$0x1] =	wrdreg $0xFFFFFFFF  }
0xa7: {  	s28 =	simm.s32 $_size_execute0_lowered;
	s3 =	sadd.s32 s3, s5;
	[dreg:$0x0] =	wrdreg $0x0  }
0xa8: {  	s5 =	sshll.u32 s28, $0x1;
	[dreg:$0x2] =	wrdreg s3  }
0xa9: {  	[dreg:$0x3] =	wrdreg s5  }
0xaa: {  	[dreg:$0x4] =	wrdreg $0xC0  }
0xab: {  	_ =	task [dreg:s7], $0x5FFFF  }
0xac: {  	[dreg:$0x1] =	wrdreg $0xFFFFFFFF  }
0xad: {  	[dreg:$0x0] =	wrdreg $0x60  }
0xae: {  	[dreg:$0x2] =	wrdreg s24  }
0xaf: {  	[dreg:$0x3] =	wrdreg s2  }
0xb0: {  	[dreg:$0x4] =	wrdreg $0x9  }
0xb1: {  	_ =	task.clear_ibuf [dreg:s7], $0x5FFFF;
	_ =	strace $0x90000046  }
0xb2: {  	s29 =	simm.s32 $0x9;
	_ =	strace $0x80000048  }
0xb3: {  	_ =	swait.ge [sflag:s29], $0x1  }
0xb4: {  	[sflag:s29] =	ssyncadd.s32 $0xFFFFFFFF  }
0xb5: {  	_ =	strace $0x90000048  }
0xb6: {  	_ =	sfence  }
0xb7: {  	s30 =	sld [smem:$0x0];
	_ =	sdelay $0x2  }
0xb8: {  	s31 =	sshll.u32 s1, $0xD;
	s1 =	sshrl.u32 s1, $0x2  }
0xb9: {  	s3 =	sand.u32 $0x4000, s31;
	s1 =	sadd.s32 s1, s30  }
0xba: {  	s0 =	sor.u32 s3, s0;
	s1 =	sshll.u32 s1, $0x11  }
0xbb: {  	s0 =	sor.u32 s1, s0  }
0xbc: {  	s0 =	sadd.s32 $0x8F2B, s0  }
0xbd: {  	[sflag:s0] =	ssyncadd.remote.s32 $0x1  }
0xbe: {  	_ =	sfence.sel $0xFFFF  }
0xbf: {  	[dreg:$0x0] =	wrdreg $0xFFFFFFFF;
	(pc) =	sbr.abs _section_cstart, $3  }
0xc0: {  	[dreg:$0x1] =	wrdreg $0xFFFFFFFF  }
0xc1: {  	_ =	task.clear_ibuf [dreg:s7], $0x2FFFF;
	_ =	strace $0x9FFFFFFF  }
0xc2: {  	(tm) =	ssettm $0x7FFFFFFF  }
0xc3: {  	_ =	shalt  }
tec
execute0_lowered:
.L_overlay_start_1:
0x0: {  	(tag) =	ssettag $0x1  }
0x1: {  	s3 =	rddreg [dreg:$0x0]  }
0x2: {  	s0 =	stileid.u32;
	s4 =	rddreg [dreg:$0x1]  }
0x3: {  	s1 =	rddreg [dreg:$0x2];
	s2 =	simm.s32 $0x0;
	s8 =	srdreg.scid  }
0x4: {  	s12 =	simm.s32 $0x2080;
	s13 =	simm.s32 $0x2100;
	s14 =	simm.s32 $0x1  }
0x5: {  	s15 =	simm.s32 $0x2200;
	s16 =	simm.s32 $0x2;
	s17 =	simm.s32 $0x0  }
0x6: {  	s5 =	sshrl.u32 s0, $0x2;
	[smem:$0x7FF] =	sst s2;
	s8 =	sand.u32 $0x1, s8  }
0x7: {  	s9 =	sshll.u32 s0, $0x1;
	s6 =	sor.u32 $0xC, s5;
	_ =	strace $0x80000047  }
0x8: {  	s5 =	sshll.u32 s5, $0xA;
	s10 =	ssub.s32 $0x2, s8;
	s9 =	sand.u32 $0x6, s9  }
0x9: {  	s7 =	sshll.u32 s6, $0x9;
	s6 =	sshll.u32 s6, $0x4;
	s11 =	sshrl.u32 s10, $0x1  }
0xa: {  	s8 =	sor.u32 s8, s9;
	s28 =	sadd.s32 s5, s3;
	s7 =	sadd.s32 s7, s3  }
0xb: {  	s6 =	sand.u32 $0x70, s6;
	s10 =	ssub.s32 s10, s11;
	s30 =	sshll.u32 s8, $0x7  }
0xc: {  	s11 =	simm.s32 $0x2000;
	s29 =	sor.u32 s8, s6;
	s3 =	sadd.s32 $0xE00, s7  }
0xd: {  	s9 =	sadd.s32 s30, s28;
	s31 =	sadd.s32 s29, s4;
	s4 =	sadd.s32 $0x2E00, s7  }
0xe: {  	s8 =	sadd.s32 $0x4E00, s9;
	s9 =	smax.u32 s10, $0x1;
	s10 =	simm.s32 $0x1000  }
0xf: {  	s5 =	sadd.s32 $0x80, s31;
	s6 =	sadd.s32 $0x180, s31;
	s7 =	sadd.s32 $0x280, s31  }
.LBB2_1:
0x10: {  	[tilespmem:s2], [sflag:$0x1] =	stream.linear.gather [hbm4b:s3+s2], $0x1000, $0x38;
	[tilespmem:$0x2600] =	vst v63  }
0x11: {  	_ = 	snop  }
0x12: {  	[tilespmem:s10], [sflag:$0x1] =	stream.linear.gather [hbm4b:s4+s2], $0x1000, $0x38;
	[tilespmem:$0x2600] =	vst v63  }
0x13: {  	_ = 	snop  }
0x14: {  	[tilespmem:s11], [sflag:$0x1] =	stream.linear.gather [hbm4b:s5+s2], $0x8, $0x38;
	[tilespmem:$0x2600] =	vst v63  }
0x15: {  	_ = 	snop  }
0x16: {  	[tilespmem:s12], [sflag:$0x1] =	stream.linear.gather [hbm4b:s6+s2], $0x8, $0x38;
	[tilespmem:$0x2600] =	vst v63  }
0x17: {  	_ = 	snop  }
0x18: {  	[tilespmem:s13], [sflag:$0x1] =	stream.linear.gather [hbm4b:s7+s2], $0x8, $0x38;
	[tilespmem:$0x2600] =	vst v63  }
0x19: {  	_ =	swait.ge [sflag:s14], $0x1000  }
0x1a: {  	[sflag:s14] =	ssyncset.done $0x0  }
0x1b: {  	[sflag:s14] =	ssyncadd.s32 $0xFFFFF000  }
0x1c: {  	_ =	swait.ge [sflag:s14], $0x1000  }
0x1d: {  	[sflag:s14] =	ssyncset.done $0x0  }
0x1e: {  	[sflag:s14] =	ssyncadd.s32 $0xFFFFF000  }
0x1f: {  	_ =	swait.ge [sflag:s14], $0x8  }
0x20: {  	[sflag:s14] =	ssyncset.done $0x0  }
0x21: {  	[sflag:s14] =	ssyncadd.s32 $0xFFFFFFF8  }
0x22: {  	_ =	swait.ge [sflag:s14], $0x8  }
0x23: {  	[sflag:s14] =	ssyncset.done $0x0  }
0x24: {  	[sflag:s14] =	ssyncadd.s32 $0xFFFFFFF8  }
0x25: {  	_ =	swait.ge [sflag:s14], $0x8  }
0x26: {  	s18 =	sand.u32 $0x70, s2;
	s19 =	sand.u32 $0xE00, s2;
	[sflag:s14] =	ssyncset.done $0x0  }
0x27: {  	s18 =	sor.u32 s18, s19;
	[sflag:s14] =	ssyncadd.s32 $0xFFFFFFF8  }
0x28: {  	v0 =	vld [tilespmem:s18+$0x1080]  }
0x29: {  	v1 =	vld [tilespmem:s18+$0x1000];
	_ =	sdelay $0x1  }
0x2a: {  	v2 =	vld [tilespmem:s18+$0x1100];
	_ =	sdelay $0x2  }
0x2b: {  	v3 =	vmul.f32 v1, v1;
	v4 =	vmul.f32 v0, v0;
	_ =	sdelay $0x1  }
0x2c: {  	v61 =	vmul.f32 v2, v2;
	v3 =	vadd.f32 v4, v3;
	_ =	sdelay $0x1  }
0x2d: {  	v3 =	vadd.f32 v61, v3;
	_ =	sdelay $0x1  }
0x2e: {  	v3 =	vmax.f32 v3, $1.000000000e-30  }
0x2f: {  	v62 =	vshra.s32 v3, $0x1;
	v3 =	vmul.f32 $5.000000000e-01, v3  }
0x30: {  	v4 =	vsub.s32 $0x5F3759DF, v62  }
0x31: {  	v5 =	vmul.f32 v4, v3;
	_ =	sdelay $0x1  }
0x32: {  	v5 =	vmul.f32 v4, v5;
	_ =	sdelay $0x1  }
0x33: {  	v5 =	vsub.f32 $1.500000000e+00, v5;
	_ =	sdelay $0x1  }
0x34: {  	v4 =	vmul.f32 v4, v5;
	_ =	sdelay $0x1  }
0x35: {  	v5 =	vmul.f32 v4, v3;
	_ =	sdelay $0x1  }
0x36: {  	v5 =	vmul.f32 v5, v4;
	_ =	sdelay $0x1  }
0x37: {  	v5 =	vsub.f32 $1.500000000e+00, v5;
	_ =	sdelay $0x1  }
0x38: {  	v4 =	vmul.f32 v5, v4;
	_ =	sdelay $0x1  }
0x39: {  	v3 =	vmul.f32 v4, v3;
	_ =	sdelay $0x1  }
0x3a: {  	v3 =	vmul.f32 v3, v4;
	_ =	sdelay $0x1  }
0x3b: {  	v3 =	vsub.f32 $1.500000000e+00, v3;
	_ =	sdelay $0x1  }
0x3c: {  	v3 =	vmul.f32 v3, v4;
	_ =	sdelay $0x1  }
0x3d: {  	v3 =	vmin.f32 v3, $1.000000000e+08  }
0x3e: {  	v1 =	vmul.f32 v3, v1  }
0x3f: {  	s20 =	simm.s32 $0x10;
	s19 =	simm.s32 $0x40;
	v63 =	vmul.f32 v3, v0  }
0x40: {  	s20 =	sand.u32 $0x70, s20;
	s21 =	sand.u32 $0xE00, s19;
	v0 =	vmul.f32 v3, v2;
	[tilespmem:s18+$0x1000] =	vst v1  }
0x41: {  	s21 =	sor.u32 s20, s21;
	s20 =	simm.s32 $0x20;
	[tilespmem:s18+$0x1080] =	vst v63  }
.LBB2_2:
0x42: {  	p0 =	sne.s32 s20, $0x3F0;
	v1 =	vld [tilespmem:s21+$0x1080];
	[tilespmem:s18+$0x1100] =	vst v0;
	s18 =	smov.u32 s21  }
0x43: {  	v0 =	vld [tilespmem:s18+$0x1000];
	_ =	sdelay $0x1  }
0x44: {  	v2 =	vld [tilespmem:s18+$0x1100];
	_ =	sdelay $0x2  }
0x45: {  	v4 =	vmul.f32 v1, v1;
	v3 =	vmul.f32 v0, v0;
	_ =	sdelay $0x1  }
0x46: {  	v3 =	vadd.f32 v4, v3;
	v4 =	vmul.f32 v2, v2;
	_ =	sdelay $0x1  }
0x47: {  	v3 =	vadd.f32 v4, v3;
	_ =	sdelay $0x1  }
0x48: {  	v3 =	vmax.f32 v3, $1.000000000e-30  }
0x49: {  	v4 =	vshra.s32 v3, $0x1;
	v3 =	vmul.f32 $5.000000000e-01, v3  }
0x4a: {  	v4 =	vsub.s32 $0x5F3759DF, v4  }
0x4b: {  	v5 =	vmul.f32 v4, v3;
	_ =	sdelay $0x1  }
0x4c: {  	v5 =	vmul.f32 v4, v5;
	_ =	sdelay $0x1  }
0x4d: {  	v5 =	vsub.f32 $1.500000000e+00, v5;
	_ =	sdelay $0x1  }
0x4e: {  	v4 =	vmul.f32 v4, v5;
	_ =	sdelay $0x1  }
0x4f: {  	v5 =	vmul.f32 v4, v3;
	_ =	sdelay $0x1  }
0x50: {  	v5 =	vmul.f32 v5, v4;
	_ =	sdelay $0x1  }
0x51: {  	v5 =	vsub.f32 $1.500000000e+00, v5;
	_ =	sdelay $0x1  }
0x52: {  	v4 =	vmul.f32 v5, v4;
	_ =	sdelay $0x1  }
0x53: {  	v3 =	vmul.f32 v4, v3;
	_ =	sdelay $0x1  }
0x54: {  	v3 =	vmul.f32 v3, v4;
	_ =	sdelay $0x1  }
0x55: {  	v3 =	vsub.f32 $1.500000000e+00, v3;
	_ =	sdelay $0x1  }
0x56: {  	v3 =	vmul.f32 v3, v4;
	_ =	sdelay $0x1  }
.Ltmp0:
0x57: {  	v3 =	vmin.f32 v3, $1.000000000e+08;
	(pc) =	sbr.rel @p0 .LBB2_2-.Ltmp0, $4  }
0x58: {  	v4 =	vmul.f32 v3, v0;
	v1 =	vmul.f32 v3, v1  }
0x59: {  	s19 =	sadd.s32 $0x40, s19;
	v0 =	vmul.f32 v3, v2  }
0x5a: {  	s21 =	sand.u32 $0x70, s20;
	s22 =	sand.u32 $0xE00, s19;
	[tilespmem:s18+$0x1000] =	vst v4  }
0x5b: {  	s20 =	sadd.s32 $0x10, s20;
	s21 =	sor.u32 s21, s22;
	[tilespmem:s18+$0x1080] =	vst v1  }
0x5c: {  	v1 =	vld [tilespmem:s21+$0x1080]  }
0x5d: {  	v2 =	vld [tilespmem:s21+$0x1000]  }
0x5e: {  	[tilespmem:s18+$0x1100] =	vst v0  }
0x5f: {  	v0 =	vld [tilespmem:s21+$0x1100];
	_ =	sdelay $0x2  }
0x60: {  	v3 =	vmul.f32 v2, v2;
	v4 =	vmul.f32 v1, v1;
	_ =	sdelay $0x1  }
0x61: {  	v56 =	vmul.f32 v0, v0;
	v3 =	vadd.f32 v4, v3;
	_ =	sdelay $0x1  }
0x62: {  	v3 =	vadd.f32 v56, v3;
	_ =	sdelay $0x1  }
0x63: {  	v3 =	vmax.f32 v3, $1.000000000e-30  }
0x64: {  	v57 =	vshra.s32 v3, $0x1;
	v3 =	vmul.f32 $5.000000000e-01, v3  }
0x65: {  	v4 =	vsub.s32 $0x5F3759DF, v57  }
0x66: {  	v5 =	vmul.f32 v4, v3;
	_ =	sdelay $0x1  }
0x67: {  	v5 =	vmul.f32 v4, v5;
	_ =	sdelay $0x1  }
0x68: {  	v5 =	vsub.f32 $1.500000000e+00, v5;
	_ =	sdelay $0x1  }
0x69: {  	v4 =	vmul.f32 v4, v5;
	_ =	sdelay $0x1  }
0x6a: {  	v5 =	vmul.f32 v4, v3;
	_ =	sdelay $0x1  }
0x6b: {  	v5 =	vmul.f32 v5, v4;
	_ =	sdelay $0x1  }
0x6c: {  	v5 =	vsub.f32 $1.500000000e+00, v5;
	_ =	sdelay $0x1  }
0x6d: {  	v4 =	vmul.f32 v5, v4;
	_ =	sdelay $0x1  }
0x6e: {  	v3 =	vmul.f32 v4, v3;
	_ =	sdelay $0x1  }
0x6f: {  	v3 =	vmul.f32 v3, v4;
	_ =	sdelay $0x1  }
0x70: {  	v3 =	vsub.f32 $1.500000000e+00, v3;
	_ =	sdelay $0x1  }
0x71: {  	v3 =	vmul.f32 v3, v4;
	_ =	sdelay $0x1  }
0x72: {  	v3 =	vmin.f32 v3, $1.000000000e+08  }
0x73: {  	v2 =	vmul.f32 v3, v2  }
0x74: {  	v1 =	vmul.f32 v3, v1  }
0x75: {  	v0 =	vmul.f32 v3, v0;
	[tilespmem:s21+$0x1000] =	vst v2  }
0x76: {  	[tilespmem:s21+$0x1080] =	vst v1  }
0x77: {  	[tilespmem:s21+$0x1100] =	vst v0  }
0x78: {  	v7 =	vld [tilespmem:$0x2000];
	_ =	sdelay $0x3  }
0x79: {  	v15 =	vld [tilespmem:$0x2080]  }
0x7a: {  	v0 =	vbroadcast v7, $0x0;
	v58 =	vbroadcast v7, $0x1  }
0x7b: {  	s31 =	simm.s32 $0x0;
	v59 =	vbroadcast v7, $0x2;
	v60 =	vbroadcast v7, $0x3  }
0x7c: {  	s19 =	sand.u32 $0x70, s31;
	s18 =	sand.u32 $0xE00, s31;
	v4 =	vbroadcast v7, $0x4;
	v5 =	vbroadcast v7, $0x5  }
0x7d: {  	s18 =	sor.u32 s19, s18;
	v23 =	vld [tilespmem:$0x2100];
	v6 =	vbroadcast v7, $0x6;
	v7 =	vbroadcast v7, $0x7  }
0x7e: {  	v32 =	vld [tilespmem:s18+$0x80];
	v8 =	vbroadcast v15, $0x0;
	v9 =	vbroadcast v15, $0x1  }
0x7f: {  	v33 =	vld [tilespmem:s18+$0x0];
	v10 =	vbroadcast v15, $0x2;
	v11 =	vbroadcast v15, $0x3  }
0x80: {  	v26 =	vld [tilespmem:s18+$0x100];
	v12 =	vbroadcast v15, $0x4;
	v13 =	vbroadcast v15, $0x5  }
0x81: {  	v14 =	vbroadcast v15, $0x6;
	v15 =	vbroadcast v15, $0x7  }
0x82: {  	v16 =	vbroadcast v23, $0x0;
	v17 =	vbroadcast v23, $0x1  }
0x83: {  	v18 =	vbroadcast v23, $0x2;
	v19 =	vbroadcast v23, $0x7  }
0x84: {  	v61 =	vbroadcast v23, $0x4;
	v34 =	vsub.f32 v59, v33;
	v25 =	vsub.f32 v10, v32  }
0x85: {  	v20 =	vbroadcast v23, $0x3;
	v35 =	vsub.f32 v19, v26;
	v28 =	vsub.f32 v11, v32  }
0x86: {  	v62 =	vbroadcast v23, $0x5;
	v31 =	vsub.f32 v18, v26;
	v39 =	vsub.f32 v61, v26  }
0x87: {  	v38 =	vld [tilespmem:s18+$0x1080];
	v63 =	vbroadcast v23, $0x6;
	v36 =	vsub.f32 v20, v26;
	v29 =	vsub.f32 v14, v32  }
0x88: {  	v54 =	vsub.f32 v58, v33;
	v37 =	vsub.f32 v60, v33;
	v24 =	vmul.f32 v34, v34  }
0x89: {  	v47 =	vld [tilespmem:s18+$0x1100];
	v41 =	vsub.f32 v62, v26;
	v27 =	vmul.f32 v25, v25;
	v30 =	vmul.f32 v31, v31  }
0x8a: {  	v44 =	vsub.f32 v63, v26;
	v40 =	vmul.f32 v39, v39;
	v42 =	vmul.f32 v54, v54  }
0x8b: {  	v50 =	vsub.f32 v12, v32;
	v45 =	vmul.f32 v29, v29;
	v46 =	vmul.f32 v28, v28  }
0x8c: {  	v53 =	vsub.f32 v9, v32;
	v49 =	vmul.f32 v38, v25;
	v52 =	vmul.f32 v44, v44  }
0x8d: {  	[tilespmem:$0x1FF70] =	vst v61;
	v55 =	vsub.f32 v15, v32;
	v61 =	vmul.f32 v38, v28;
	v1 =	vmul.f32 v38, v50  }
0x8e: {  	[tilespmem:$0x1FFA0] =	vst v58;
	v56 =	vsub.f32 v16, v26;
	v28 =	vmul.f32 v37, v37;
	v58 =	vmul.f32 v47, v31  }
0x8f: {  	[tilespmem:$0x1FF20] =	vst v59;
	v43 =	vsub.f32 v17, v26;
	v26 =	vmul.f32 v38, v55;
	v2 =	vmul.f32 v38, v53  }
0x90: {  	[tilespmem:$0x1FFB0] =	vst v60;
	v60 =	vsub.f32 v13, v32;
	v59 =	vmul.f32 v56, v56;
	v31 =	vmul.f32 v47, v36  }
0x91: {  	v22 =	vmovc v9;
	v53 =	vmul.f32 v53, v53;
	v9 =	vmul.f32 v43, v43;
	v24 =	vadd.f32 v27, v24  }
0x92: {  	v32 =	vsub.f32 v8, v32;
	v36 =	vmul.f32 v36, v36;
	v55 =	vmul.f32 v55, v55  }
0x93: {  	v23 =	vmovc v16;
	v3 =	vmul.f32 v60, v60;
	v43 =	vmul.f32 v47, v43;
	v30 =	vadd.f32 v30, v24  }
0x94: {  	v25 =	vld [tilespmem:s18+$0x1000];
	v50 =	vmul.f32 v50, v50;
	v16 =	vmovc v8;
	v8 =	vmul.f32 v32, v32;
	v46 =	vadd.f32 v46, v28  }
0x95: {  	v42 =	vadd.f32 v53, v42;
	v24 =	vmul.f32 v38, v29;
	v29 =	vmax.f32 v30, $1.000000000e-30  }
0x96: {  	v28 =	vsub.f32 v6, v33;
	v30 =	vshra.s32 v29, $0x1;
	v48 =	vmul.f32 $5.000000000e-01, v29  }
0x97: {  	v32 =	vmul.f32 v38, v32;
	v56 =	vmul.f32 v47, v56;
	v51 =	vsub.s32 $0x5F3759DF, v30  }
0x98: {  	[tilespmem:$0x1FF30] =	vst v10;
	v42 =	vadd.f32 v9, v42;
	v10 =	vmul.f32 v28, v28;
	v30 =	vmul.f32 v51, v48  }
0x99: {  	[tilespmem:$0x1FFC0] =	vst v62;
	v36 =	vadd.f32 v36, v46;
	v38 =	vmul.f32 v38, v60;
	v62 =	vmul.f32 v25, v37  }
0x9a: {  	v46 =	vsub.f32 v5, v33;
	v34 =	vmul.f32 v25, v34;
	v57 =	vmul.f32 v51, v30  }
0x9b: {  	v54 =	vmul.f32 v25, v54;
	v45 =	vadd.f32 v45, v10;
	v30 =	vsub.f32 v7, v33  }
0x9c: {  	[tilespmem:$0x1FF40] =	vst v19;
	v42 =	vmax.f32 v42, $1.000000000e-30;
	v27 =	vmax.f32 v36, $1.000000000e-30;
	v57 =	vsub.f32 $1.500000000e+00, v57  }
0x9d: {  	[tilespmem:$0x1FFE0] =	vst v63;
	v36 =	vmul.f32 v47, v44;
	v34 =	vadd.f32 v49, v34;
	v63 =	vmul.f32 v30, v30  }
0x9e: {  	v21 =	vmovc v7;
	v49 =	vmul.f32 v47, v41;
	v54 =	vadd.f32 v2, v54;
	v7 =	vmul.f32 v51, v57  }
0x9f: {  	[tilespmem:$0x1FF50] =	vst v11;
	v41 =	vmul.f32 v41, v41;
	v55 =	vadd.f32 v55, v63;
	v63 =	vsub.f32 v4, v33  }
0xa0: {  	[tilespmem:$0x1FF80] =	vst v20;
	v51 =	vmul.f32 v35, v35;
	v33 =	vsub.f32 v0, v33;
	v57 =	vmul.f32 v7, v48  }
0xa1: {  	v20 =	vmovc v6;
	v45 =	vadd.f32 v52, v45;
	v43 =	vadd.f32 v43, v54;
	v6 =	vmul.f32 v63, v63  }
0xa2: {  	v19 =	vmovc v5;
	v5 =	vmul.f32 v33, v33;
	v51 =	vadd.f32 v51, v55;
	v11 =	vmul.f32 v57, v7  }
0xa3: {  	v33 =	vmul.f32 v25, v33;
	v37 =	vadd.f32 v50, v6;
	v50 =	vmul.f32 $5.000000000e-01, v42  }
0xa4: {  	v42 =	vshra.s32 v42, $0x1;
	v51 =	vmax.f32 v51, $1.000000000e-30;
	v53 =	vsub.f32 $1.500000000e+00, v11  }
0xa5: {  	v32 =	vadd.f32 v32, v33;
	v42 =	vsub.s32 $0x5F3759DF, v42;
	v10 =	vadd.f32 v40, v37  }
0xa6: {  	v11 =	vshra.s32 v27, $0x1;
	v37 =	vmul.f32 v47, v35;
	v53 =	vmul.f32 v53, v7  }
0xa7: {  	v40 =	vmul.f32 $5.000000000e-01, v27;
	v27 =	vadd.f32 v58, v34;
	v34 =	vadd.f32 v8, v5  }
0xa8: {  	v29 =	vsub.s32 $0x5F3759DF, v11;
	v7 =	vmul.f32 v46, v46;
	v9 =	vmul.f32 v53, v48  }
0xa9: {  	[tilespmem:$0x1FF90] =	vst v14;
	v58 =	vmul.f32 v47, v39;
	v6 =	vmul.f32 v29, v40;
	v34 =	vadd.f32 v59, v34  }
0xaa: {  	v14 =	vmovc v0;
	v46 =	vmul.f32 v25, v46;
	v52 =	vadd.f32 v3, v7;
	v0 =	vmul.f32 v9, v53  }
0xab: {  	v3 =	vmax.f32 v45, $1.000000000e-30;
	v48 =	vmax.f32 v10, $1.000000000e-30;
	v45 =	vmul.f32 v29, v6  }
0xac: {  	[tilespmem:$0x1FF60] =	vst v18;
	v18 =	vmovc v4;
	v10 =	vmul.f32 v42, v50;
	v41 =	vadd.f32 v41, v52;
	v4 =	vsub.f32 $1.500000000e+00, v0  }
0xad: {  	v34 =	vmax.f32 v34, $1.000000000e-30;
	v7 =	vshra.s32 v3, $0x1;
	v39 =	vmul.f32 $5.000000000e-01, v3  }
0xae: {  	v45 =	vsub.f32 $1.500000000e+00, v45;
	v41 =	vmax.f32 v41, $1.000000000e-30;
	v35 =	vmul.f32 v4, v53  }
0xaf: {  	v47 =	vmul.f32 v42, v10;
	v57 =	vmul.f32 $5.000000000e-01, v41;
	v41 =	vshra.s32 v41, $0x1  }
0xb0: {  	v10 =	vmul.f32 v25, v63;
	v35 =	vmul.f32 v35, v27;
	v27 =	vsub.s32 $0x5F3759DF, v41  }
0xb1: {  	v53 =	vmul.f32 $5.000000000e-01, v48;
	v48 =	vshra.s32 v48, $0x1;
	v8 =	vmul.f32 v27, v57  }
0xb2: {  	v0 =	vshra.s32 v34, $0x1;
	v34 =	vmul.f32 $5.000000000e-01, v34;
	v9 =	vsub.s32 $0x5F3759DF, v48  }
0xb3: {  	v3 =	vsub.s32 $0x5F3759DF, v0;
	v60 =	vmul.f32 v9, v53;
	v11 =	vmul.f32 v27, v8  }
0xb4: {  	v29 =	vmul.f32 v29, v45;
	v47 =	vsub.f32 $1.500000000e+00, v47;
	v59 =	vmul.f32 v3, v34  }
0xb5: {  	v41 =	vsub.s32 $0x5F3759DF, v7;
	v52 =	vmul.f32 v9, v60;
	v48 =	vsub.f32 $1.500000000e+00, v11  }
0xb6: {  	v38 =	vadd.f32 v38, v46;
	v6 =	vmul.f32 v3, v59;
	v4 =	vmul.f32 v41, v39  }
0xb7: {  	v47 =	vmul.f32 v42, v47;
	v5 =	vsub.f32 $1.500000000e+00, v52;
	v27 =	vmul.f32 v27, v48  }
0xb8: {  	v52 =	vsub.f32 $1.500000000e+00, v6;
	v11 =	vmul.f32 v29, v40;
	v48 =	vmul.f32 v41, v4  }
0xb9: {  	v7 =	vadd.f32 v61, v62;
	v45 =	vmul.f32 v9, v5;
	v8 =	vmul.f32 v27, v57  }
0xba: {  	v44 =	vmul.f32 v3, v52;
	v9 =	vshra.s32 v51, $0x1;
	v48 =	vsub.f32 $1.500000000e+00, v48  }
0xbb: {  	v52 =	vsub.s32 $0x5F3759DF, v9;
	v3 =	vmul.f32 v45, v53;
	v42 =	vmul.f32 v8, v27  }
0xbc: {  	v60 =	vmul.f32 v41, v48;
	v41 =	vadd.f32 v31, v7;
	v31 =	vmul.f32 v47, v50  }
0xbd: {  	v6 =	vmul.f32 v44, v34;
	v33 =	vmul.f32 v3, v45;
	v0 =	vsub.f32 $1.500000000e+00, v42  }
0xbe: {  	v4 =	vadd.f32 v1, v10;
	v42 =	vmul.f32 $5.000000000e-01, v51;
	v31 =	vmul.f32 v31, v47  }
0xbf: {  	v48 =	vmul.f32 v11, v29;
	v33 =	vsub.f32 $1.500000000e+00, v33;
	v27 =	vmul.f32 v0, v27  }
0xc0: {  	v8 =	vmul.f32 v6, v44;
	v5 =	vmul.f32 v52, v42;
	v31 =	vsub.f32 $1.500000000e+00, v31  }
0xc1: {  	v11 =	vsub.f32 $1.500000000e+00, v48;
	v33 =	vmul.f32 v33, v45;
	v7 =	vmul.f32 v27, v57  }
0xc2: {  	v55 =	vmul.f32 v52, v5;
	v57 =	vsub.f32 $1.500000000e+00, v8;
	v48 =	vmul.f32 v31, v47  }
0xc3: {  	v51 =	vadd.f32 v56, v32;
	v31 =	vmul.f32 v60, v39;
	v46 =	vmul.f32 v7, v27  }
0xc4: {  	v55 =	vsub.f32 $1.500000000e+00, v55;
	v10 =	vmul.f32 v57, v44;
	v44 =	vmul.f32 v11, v29  }
0xc5: {  	v32 =	vimm.f32 $0.0e+00;
	v29 =	vmul.f32 v33, v53;
	v31 =	vmul.f32 v31, v60  }
0xc6: {  	v57 =	vadd.f32 v58, v4;
	v50 =	vmul.f32 v48, v50;
	v55 =	vmul.f32 v52, v55  }
0xc7: {  	v9 =	vsub.f32 $1.500000000e+00, v46;
	v34 =	vmul.f32 v10, v34;
	v59 =	vmul.f32 v29, v33  }
0xc8: {  	v46 =	vadd.f32 v49, v38;
	v38 =	vmul.f32 v25, v30;
	v63 =	vmul.f32 v50, v48  }
0xc9: {  	v30 =	vsub.f32 $1.500000000e+00, v31;
	v47 =	vmul.f32 v9, v27;
	v58 =	vmul.f32 v55, v42  }
0xca: {  	v27 =	vimm.f32 $0.0e+00;
	v34 =	vmul.f32 v34, v10;
	v45 =	vsub.f32 $1.500000000e+00, v59  }
0xcb: {  	v52 =	vsub.f32 $1.500000000e+00, v63;
	v29 =	vadd.f32 v35, v27;
	v61 =	vmul.f32 v58, v55  }
0xcc: {  	v35 =	vimm.f32 $0.0e+00;
	v31 =	vsub.f32 $1.500000000e+00, v34;
	v33 =	vmul.f32 v45, v33  }
0xcd: {  	v45 =	vmul.f32 v30, v60;
	v30 =	vimm.f32 $0.0e+00;
	v62 =	vsub.f32 $1.500000000e+00, v61  }
0xce: {  	[tilespmem:$0x1FFD0] =	vst v17;
	v34 =	vimm.f32 $0.0e+00;
	v53 =	vmul.f32 v31, v10;
	v50 =	vmul.f32 v33, v57  }
0xcf: {  	s21 =	simm.s32 $0x10;
	[tilespmem:$0x1FFF0] =	vst v12;
	v17 =	vmovc v15;
	v15 =	vmovc v13;
	s18 =	simm.s32 $0x40;
	v33 =	vimm.f32 $0.0e+00;
	v31 =	vimm.f32 $0.0e+00;
	v49 =	vmul.f32 v62, v55  }
.LBB2_4:
0xd0: {  	v0 =	vld [tilespmem:$0x1FF40]  }
0xd1: {  	v58 =	vld [tilespmem:$0x1FF50]  }
0xd2: {  	v59 =	vld [tilespmem:$0x1FF70]  }
0xd3: {  	v60 =	vld [tilespmem:$0x1FF20]  }
0xd4: {  	s20 =	sand.u32 $0x70, s21;
	s22 =	sand.u32 $0xE00, s18;
	v62 =	vld [tilespmem:$0x1FF90]  }
0xd5: {  	v26 =	vadd.f32 v26, v38;
	v25 =	vmul.f32 v25, v28;
	v4 =	vld [tilespmem:$0x1FFA0];
	v51 =	vmul.f32 v53, v51;
	s20 =	sor.u32 s20, s22  }
0xd6: {  	v40 =	vmul.f32 v44, v40;
	v27 =	vadd.f32 v50, v27;
	v9 =	vmul.f32 v47, v46;
	v46 =	vld [tilespmem:s20+$0x100]  }
0xd7: {  	v42 =	vmul.f32 v49, v42;
	v10 =	vmul.f32 v52, v48;
	v55 =	vld [tilespmem:s20+$0x80];
	v26 =	vadd.f32 v37, v26  }
0xd8: {  	v6 =	vld [tilespmem:$0x1FFB0];
	v24 =	vadd.f32 v24, v25;
	v35 =	vadd.f32 v51, v35;
	v11 =	vmul.f32 v40, v44  }
0xd9: {  	v7 =	vld [tilespmem:$0x1FFC0];
	v30 =	vadd.f32 v9, v30;
	v28 =	vmul.f32 v42, v49;
	v56 =	vmul.f32 v10, v43  }
0xda: {  	v1 =	vld [tilespmem:$0x1FFF0];
	v36 =	vadd.f32 v36, v24;
	v57 =	vsub.f32 $1.500000000e+00, v11  }
0xdb: {  	v40 =	vld [tilespmem:s20+$0x0];
	v25 =	vsub.f32 $1.500000000e+00, v28;
	v34 =	vadd.f32 v56, v34  }
0xdc: {  	v42 =	vld [tilespmem:s20+$0x1080];
	v37 =	vsub.f32 v0, v46;
	v43 =	vsub.f32 v58, v55  }
0xdd: {  	v9 =	vld [tilespmem:$0x1FFD0];
	v28 =	vmul.f32 v57, v44;
	v44 =	vsub.f32 v59, v46;
	v63 =	vsub.f32 v62, v55  }
0xde: {  	v10 =	vld [tilespmem:$0x1FFE0];
	v56 =	vsub.f32 v7, v46;
	v0 =	vsub.f32 v22, v55  }
0xdf: {  	v61 =	vld [tilespmem:$0x1FF80];
	v39 =	vmul.f32 v45, v39;
	v1 =	vsub.f32 v1, v55;
	v3 =	vsub.f32 v17, v55  }
0xe0: {  	v24 =	vmul.f32 v25, v49;
	v47 =	vsub.f32 v60, v40;
	v49 =	vsub.f32 v4, v40  }
0xe1: {  	v54 =	vsub.f32 v6, v40;
	v6 =	vmul.f32 v39, v45;
	v25 =	vmul.f32 v28, v41  }
0xe2: {  	v58 =	vsub.f32 v9, v46;
	v26 =	vmul.f32 v24, v26;
	v52 =	vmul.f32 v44, v44  }
0xe3: {  	v8 =	vld [tilespmem:$0x1FF30];
	v59 =	vsub.f32 v10, v46;
	v24 =	vmul.f32 v42, v63;
	v60 =	vmul.f32 v63, v63  }
0xe4: {  	v50 =	vld [tilespmem:s20+$0x1100];
	v28 =	vsub.f32 v61, v46;
	v11 =	vmul.f32 v43, v43;
	v51 =	vmul.f32 v42, v43  }
0xe5: {  	v7 =	vld [tilespmem:$0x1FF60];
	v61 =	vsub.f32 v21, v40;
	v48 =	vmul.f32 v42, v1;
	v1 =	vmul.f32 v1, v1  }
0xe6: {  	v41 =	vsub.f32 v15, v55;
	v5 =	vmul.f32 v47, v47;
	v57 =	vmul.f32 v49, v49  }
0xe7: {  	v62 =	vmul.f32 v59, v59;
	v33 =	vadd.f32 v25, v33;
	v31 =	vadd.f32 v26, v31  }
0xe8: {  	v4 =	vmul.f32 v54, v54;
	v26 =	vsub.f32 v8, v55;
	v8 =	vsub.f32 $1.500000000e+00, v6  }
0xe9: {  	v25 =	vld [tilespmem:s20+$0x1000];
	v53 =	vmul.f32 v50, v28;
	v28 =	vmul.f32 v28, v28;
	v55 =	vsub.f32 v16, v55  }
0xea: {  	v63 =	vsub.f32 v7, v46;
	v39 =	vmul.f32 v42, v26;
	v26 =	vmul.f32 v26, v26  }
0xeb: {  	v4 =	vadd.f32 v11, v4;
	v9 =	vmul.f32 v8, v45;
	v8 =	vmul.f32 v41, v41  }
0xec: {  	v2 =	vmul.f32 v63, v63;
	v63 =	vmul.f32 v50, v63;
	v26 =	vadd.f32 v26, v5  }
0xed: {  	v36 =	vmul.f32 v9, v36;
	v5 =	vsub.f32 v23, v46;
	v46 =	vmul.f32 v42, v0  }
0xee: {  	v4 =	vadd.f32 v28, v4;
	v0 =	vmul.f32 v0, v0;
	v38 =	vmul.f32 v25, v61  }
0xef: {  	v43 =	vmul.f32 v25, v49;
	v7 =	vmul.f32 v25, v54;
	v2 =	vadd.f32 v2, v26  }
0xf0: {  	v28 =	vsub.f32 v20, v40;
	v54 =	vmul.f32 v58, v58;
	v61 =	vmul.f32 v61, v61  }
0xf1: {  	v4 =	vmax.f32 v4, $1.000000000e-30;
	v26 =	vmul.f32 v42, v3;
	v2 =	vmax.f32 v2, $1.000000000e-30  }
0xf2: {  	v6 =	vmul.f32 v5, v5;
	v10 =	vshra.s32 v2, $0x1;
	v2 =	vmul.f32 $5.000000000e-01, v2  }
0xf3: {  	v32 =	vadd.f32 v36, v32;
	v36 =	vmul.f32 v37, v37;
	v45 =	vsub.s32 $0x5F3759DF, v10  }
0xf4: {  	v0 =	vadd.f32 v0, v57;
	v3 =	vmul.f32 v3, v3;
	v11 =	vmul.f32 v45, v2  }
0xf5: {  	v12 =	vshra.s32 v4, $0x1;
	v37 =	vmul.f32 v50, v37;
	v5 =	vmul.f32 v50, v5  }
0xf6: {  	v0 =	vadd.f32 v54, v0;
	v54 =	vsub.f32 v19, v40;
	v49 =	vmul.f32 v45, v11  }
0xf7: {  	v12 =	vsub.s32 $0x5F3759DF, v12;
	v3 =	vadd.f32 v3, v61;
	v61 =	vsub.f32 v14, v40  }
0xf8: {  	v40 =	vsub.f32 v18, v40;
	v10 =	vmul.f32 v28, v28;
	v57 =	vsub.f32 $1.500000000e+00, v49  }
0xf9: {  	v7 =	vadd.f32 v51, v7;
	v3 =	vadd.f32 v36, v3;
	v36 =	vmul.f32 v54, v54  }
0xfa: {  	v13 =	vmul.f32 v40, v40;
	v10 =	vadd.f32 v60, v10;
	v57 =	vmul.f32 v45, v57  }
0xfb: {  	v60 =	vmul.f32 v25, v61;
	v8 =	vadd.f32 v8, v36;
	v36 =	vmul.f32 v50, v59  }
0xfc: {  	v43 =	vadd.f32 v46, v43;
	v61 =	vmul.f32 v61, v61;
	v9 =	vmul.f32 v57, v2  }
0xfd: {  	v1 =	vadd.f32 v1, v13;
	v11 =	vmul.f32 v55, v55;
	v55 =	vmul.f32 v42, v55  }
0xfe: {  	v0 =	vmax.f32 v0, $1.000000000e-30;
	v42 =	vmul.f32 v42, v41;
	v9 =	vmul.f32 v9, v57  }
0xff: {  	v10 =	vadd.f32 v62, v10;
	v1 =	vadd.f32 v52, v1;
	v49 =	vmul.f32 v50, v58  }
0x100: {  	v58 =	vmul.f32 v25, v47;
	v47 =	vmul.f32 v50, v56;
	v9 =	vsub.f32 $1.500000000e+00, v9  }
0x101: {  	v56 =	vmul.f32 v56, v56;
	v10 =	vmax.f32 v10, $1.000000000e-30;
	v1 =	vmax.f32 v1, $1.000000000e-30  }
0x102: {  	v45 =	vmul.f32 $5.000000000e-01, v0;
	v0 =	vshra.s32 v0, $0x1;
	v9 =	vmul.f32 v9, v57  }
0x103: {  	v39 =	vadd.f32 v39, v58;
	v8 =	vadd.f32 v56, v8;
	v56 =	vmul.f32 $5.000000000e-01, v1  }
0x104: {  	v1 =	vshra.s32 v1, $0x1;
	v0 =	vsub.s32 $0x5F3759DF, v0;
	v2 =	vmul.f32 v9, v2  }
0x105: {  	v1 =	vsub.s32 $0x5F3759DF, v1;
	v62 =	vadd.f32 v63, v39;
	v57 =	vmul.f32 v25, v40  }
0x106: {  	v39 =	vshra.s32 v10, $0x1;
	v40 =	vmul.f32 $5.000000000e-01, v4;
	v2 =	vmul.f32 v2, v9  }
0x107: {  	v8 =	vmax.f32 v8, $1.000000000e-30;
	v4 =	vadd.f32 v11, v61;
	v11 =	vsub.s32 $0x5F3759DF, v39  }
0x108: {  	v39 =	vmul.f32 $5.000000000e-01, v10;
	v63 =	vmul.f32 v12, v40;
	v2 =	vsub.f32 $1.500000000e+00, v2  }
0x109: {  	v10 =	vmul.f32 v50, v44;
	v4 =	vadd.f32 v6, v4;
	v6 =	vmul.f32 $5.000000000e-01, v8  }
0x10a: {  	v8 =	vshra.s32 v8, $0x1;
	v2 =	vmul.f32 v2, v9;
	v9 =	vmul.f32 v12, v63  }
0x10b: {  	v50 =	vmul.f32 v0, v45;
	v59 =	vmul.f32 v11, v39;
	v8 =	vsub.s32 $0x5F3759DF, v8  }
0x10c: {  	v4 =	vmax.f32 v4, $1.000000000e-30;
	v63 =	vmul.f32 v1, v56;
	v9 =	vsub.f32 $1.500000000e+00, v9  }
0x10d: {  	v2 =	vmul.f32 v2, v62;
	v62 =	vshra.s32 v4, $0x1;
	v4 =	vmul.f32 $5.000000000e-01, v4  }
0x10e: {  	v58 =	vsub.s32 $0x5F3759DF, v62;
	v9 =	vmul.f32 v12, v9;
	v12 =	vmul.f32 v8, v6  }
0x10f: {  	v52 =	vadd.f32 v55, v60;
	v44 =	vmul.f32 v11, v59;
	v60 =	vmul.f32 v58, v4  }
0x110: {  	v3 =	vmax.f32 v3, $1.000000000e-30;
	v59 =	vmul.f32 v1, v63;
	v12 =	vmul.f32 v8, v12  }
0x111: {  	v41 =	vadd.f32 v53, v7;
	v44 =	vsub.f32 $1.500000000e+00, v44;
	v62 =	vmul.f32 v58, v60  }
0x112: {  	v50 =	vmul.f32 v0, v50;
	v7 =	vsub.f32 $1.500000000e+00, v59;
	v12 =	vsub.f32 $1.500000000e+00, v12  }
0x113: {  	v11 =	vmul.f32 v11, v44;
	v61 =	vmul.f32 v9, v40;
	v51 =	vsub.f32 $1.500000000e+00, v62  }
0x114: {  	v1 =	vmul.f32 v1, v7;
	v8 =	vmul.f32 v8, v12;
	v12 =	vsub.f32 $1.500000000e+00, v50  }
0x115: {  	v53 =	vadd.f32 v48, v57;
	v61 =	vmul.f32 v61, v9;
	v57 =	vmul.f32 v58, v51  }
0x116: {  	v13 =	vshra.s32 v3, $0x1;
	v0 =	vmul.f32 v0, v12;
	v12 =	vmul.f32 v25, v54  }
0x117: {  	v13 =	vsub.s32 $0x5F3759DF, v13;
	v58 =	vmul.f32 v1, v56;
	v63 =	vmul.f32 v8, v6  }
0x118: {  	v60 =	vmul.f32 v57, v4;
	v12 =	vadd.f32 v42, v12;
	v42 =	vmul.f32 $5.000000000e-01, v3  }
0x119: {  	v44 =	vsub.f32 $1.500000000e+00, v61;
	v61 =	vmul.f32 v58, v1;
	v55 =	vmul.f32 v63, v8  }
0x11a: {  	v29 =	vadd.f32 v2, v29;
	v54 =	vmul.f32 v11, v39;
	v59 =	vmul.f32 v13, v42  }
0x11b: {  	v48 =	vmul.f32 v0, v45;
	v63 =	vmul.f32 v60, v57;
	v7 =	vsub.f32 $1.500000000e+00, v55  }
0x11c: {  	v44 =	vmul.f32 v44, v9;
	v2 =	vsub.f32 $1.500000000e+00, v61;
	v62 =	vmul.f32 v13, v59  }
0x11d: {  	v48 =	vmul.f32 v48, v0;
	v46 =	vsub.f32 $1.500000000e+00, v63;
	v7 =	vmul.f32 v7, v8  }
0x11e: {  	v1 =	vmul.f32 v2, v1;
	v55 =	vmul.f32 v54, v11;
	v8 =	vsub.f32 $1.500000000e+00, v62  }
0x11f: {  	v48 =	vsub.f32 $1.500000000e+00, v48;
	v3 =	vmul.f32 v46, v57;
	v6 =	vmul.f32 v7, v6  }
0x120: {  	v51 =	vadd.f32 v5, v52;
	v2 =	vmul.f32 v13, v8;
	v13 =	vmul.f32 v1, v56  }
0x121: {  	v58 =	vadd.f32 v10, v53;
	v4 =	vmul.f32 v3, v4;
	v48 =	vmul.f32 v48, v0  }
0x122: {  	v46 =	vadd.f32 v47, v12;
	v57 =	vmul.f32 v2, v42;
	v59 =	vmul.f32 v13, v1  }
0x123: {  	p0 =	sne.s32 s21, $0x3F0;
	v62 =	vsub.f32 $1.500000000e+00, v55;
	v6 =	vmul.f32 v6, v7;
	v4 =	vmul.f32 v4, v3  }
.Ltmp1:
0x124: {  	v60 =	vmul.f32 v48, v45;
	v12 =	vmul.f32 v57, v2;
	v61 =	vsub.f32 $1.500000000e+00, v59;
	(pc) =	sbr.rel @p0 .LBB2_4-.Ltmp1, $4  }
0x125: {  	v45 =	vmul.f32 v62, v11;
	v6 =	vsub.f32 $1.500000000e+00, v6;
	v4 =	vsub.f32 $1.500000000e+00, v4  }
0x126: {  	s19 =	smov.u32 s21;
	v5 =	vmul.f32 v60, v48;
	v63 =	vsub.f32 $1.500000000e+00, v12;
	v1 =	vmul.f32 v61, v1  }
0x127: {  	s19 =	sadd.s32 $0x10, s21;
	v43 =	vadd.f32 v49, v43;
	v47 =	vmul.f32 v6, v7;
	v53 =	vmul.f32 v4, v3  }
0x128: {  	s18 =	sadd.s32 $0x40, s18;
	s21 =	smov.u32 s19;
	v52 =	vsub.f32 $1.500000000e+00, v5;
	v50 =	vmul.f32 v1, v58;
	v49 =	vmul.f32 v63, v2  }
0x129: {  	v0 =	vmul.f32 v44, v40;
	v1 =	vmul.f32 v53, v51  }
0x12a: {  	v3 =	vmul.f32 v45, v39;
	v5 =	vmul.f32 v25, v28  }
0x12b: {  	v6 =	vadd.f32 v26, v38;
	v2 =	vmul.f32 v49, v42;
	v0 =	vmul.f32 v0, v44  }
0x12c: {  	v7 =	vmul.f32 v47, v46;
	v61 =	vadd.f32 v50, v27;
	v3 =	vmul.f32 v3, v45  }
0x12d: {  	v1 =	vadd.f32 v1, v35;
	v2 =	vmul.f32 v2, v49;
	v0 =	vsub.f32 $1.500000000e+00, v0  }
0x12e: {  	v4 =	vmul.f32 v52, v48;
	v5 =	vadd.f32 v24, v5;
	v3 =	vsub.f32 $1.500000000e+00, v3  }
0x12f: {  	v60 =	vadd.f32 v37, v6;
	v2 =	vsub.f32 $1.500000000e+00, v2;
	v0 =	vmul.f32 v0, v44  }
0x130: {  	[tilespmem:$0x2300] =	vst v29;
	v4 =	vmul.f32 v4, v43;
	v5 =	vadd.f32 v36, v5;
	v3 =	vmul.f32 v3, v45  }
0x131: {  	v62 =	vadd.f32 v7, v30;
	[tilespmem:$0x2400] =	vst v61;
	v2 =	vmul.f32 v2, v49;
	v0 =	vmul.f32 v0, v41  }
0x132: {  	[tilespmem:$0x2200] =	vst v1;
	v4 =	vadd.f32 v4, v34;
	v3 =	vmul.f32 v3, v5  }
0x133: {  	[tilespmem:$0x2480] =	vst v62;
	v1 =	vmul.f32 v2, v60;
	v0 =	vadd.f32 v0, v33  }
0x134: {  	[tilespmem:$0x2280] =	vst v4;
	v63 =	vadd.f32 v3, v32  }
0x135: {  	s17 =	sadd.s32 $0x1, s17;
	v1 =	vadd.f32 v1, v31;
	[tilespmem:$0x2380] =	vst v0  }
0x136: {  	p0 =	sne.s32 s17, s9;
	[tilespmem:$0x2500] =	vst v63  }
.Ltmp2:
0x137: {  	[tilespmem:$0x2580] =	vst v1;
	(pc) =	sbr.rel @p0 .LBB2_1-.Ltmp2, $4  }
0x138: {  	[hbm4b:s8+s2] =	stream.linear.scatter [tilespmem:s15], [sflag:$0x2], $0x400, $0x38;
	[tilespmem:$0x2600] =	vst v63  }
0x139: {  	_ =	swait.ge [sflag:s16], $0x400  }
0x13a: {  	[sflag:s16] =	ssyncset.done $0x0  }
0x13b: {  	[sflag:s16] =	ssyncadd.s32 $0xFFFFFC00  }
0x13c: {  	_ =	sfence.sel $0x180000  }
0x13d: {  	[bflag:$0x0] =	sbarrier.arrive $0xFFFF  }
0x13e: {  	p0 =	sne.s32 s0, $0x0;
	_ =	strace $0x90000047  }
0x13f: {  	s0 =	sadd.s32 @!p0 $0x100000, s1;
	[bflag:$0x2] =	sbarrier.arrive $0xFFFF  }
0x140: {  	[sflag:s0] =	ssyncadd.tile.s32 @!p0 $0x1;
	_ =	shalt  }
.Lfunc_end2:
_tile_overlayer_lowered:
.L_overlay_start_2:
0x141: {  	(tag) =	ssettag $0x2  }
0x142: {  	s0 =	rddreg [dreg:$0x0];
	s2 =	stileid.u32  }
0x143: {  	s1 =	rddreg [dreg:$0x1];
	p0 =	sne.s32 s2, $0x0  }
0x144: {  	s3 =	rddreg [dreg:$0x2];
	[bflag:$0x3] =	sbarrier.arrive $0xFFFF;
	s2 =	simm.s32 @!p0 $0x1C02  }
0x145: {  	[timem:s3], [sflag:s2] =	dma.local @!p0 [hbm:s0], s1  }
0x146: {  	s0 =	simm.s32 @!p0 $0x2  }
0x147: {  	_ =	swait.ge @!p0 [sflag:s0], s1  }
0x148: {  	s1 =	ssub.s32 @!p0 $0x0, s1;
	[sflag:s0] =	ssyncset.done @!p0 $0x0  }
0x149: {  	[sflag:s0] =	ssyncadd.s32 @!p0 s1  }
0x14a: {  	[bflag:$0x3] =	sbarrier.arrive $0xFFFF  }
0x14b: {  	_ =	shalt  }

</sc_bundles>
